<compile_context>
chip_gen: v7x
topology: tpu7x:2x2x1
jax: 0.10.2.dev20260603
libtpu: 0.0.44.dev20260713+nightly
codegen_flags: <defaults>
</compile_context>

<pallas_src>
import functools

import jax
import jax.numpy as jnp
from jax import lax
from jax.experimental import pallas as pl
from jax.experimental.pallas import tpu as pltpu
from jax.experimental.pallas import tpu_sc as plsc

_NC = 2
_NS = 16
_NW = _NC * _NS


def _gather_body(nchunks, chunk, table_hbm, idx_hbm, out_hbm,
                 idx_v, vals_v, isems, gsem, osems):
    per_w = nchunks * chunk
    wid = lax.axis_index("s") * _NC + lax.axis_index("c")
    base = wid * per_w
    ihandles = [None, None]
    ohandles = [None, None]

    def start_idx(i):
        bb = i % 2
        ihandles[bb] = pltpu.async_copy(
            idx_hbm.at[pl.ds(base + i * chunk, chunk)], idx_v.at[bb], isems[bb])

    start_idx(0)
    for i in range(nchunks):
        bb = i % 2
        ihandles[bb].wait()
        if i + 1 < nchunks:
            start_idx(i + 1)
        if ohandles[bb] is not None:
            ohandles[bb].wait()
        pltpu.async_copy(table_hbm.at[idx_v.at[bb]], vals_v.at[bb], gsem).wait()
        ohandles[bb] = pltpu.async_copy(
            vals_v.at[bb], out_hbm.at[pl.ds(base + i * chunk, chunk)], osems[bb])
    for h in ohandles:
        if h is not None:
            h.wait()


def _sc_gather_elem(table_1d, elem_idx):
    n = elem_idx.shape[0]
    per_w = n // _NW
    nchunks = 8
    chunk = per_w // nchunks
    mesh = plsc.VectorSubcoreMesh(
        core_axis_name="c", subcore_axis_name="s",
        num_cores=_NC, num_subcores=_NS)
    return pl.kernel(
        functools.partial(_gather_body, nchunks, chunk),
        out_type=jax.ShapeDtypeStruct((n,), jnp.float32),
        mesh=mesh,
        scratch_types=[
            pltpu.VMEM((2, chunk), jnp.int32),
            pltpu.VMEM((2, chunk), jnp.float32),
            [pltpu.SemaphoreType.DMA, pltpu.SemaphoreType.DMA],
            pltpu.SemaphoreType.DMA,
            [pltpu.SemaphoreType.DMA, pltpu.SemaphoreType.DMA],
        ],
        compiler_params=pltpu.CompilerParams(use_tc_tiling_on_sc=False),
    )(table_1d, elem_idx)


def _mlp_body(emb_ref, den_ref, w1s_ref, w1d_ref, b1_ref, w2_ref, b2_ref,
              w3_ref, b3_ref, ww_ref, bw_ref, wf_ref, bf_ref, out_ref):
    x = emb_ref[...]
    d = den_ref[...]
    h = jnp.dot(x, w1s_ref[...], preferred_element_type=jnp.float32)
    h += jnp.dot(d, w1d_ref[...], preferred_element_type=jnp.float32)
    h = jnp.maximum(h + b1_ref[...], 0.0)
    h = jnp.maximum(
        jnp.dot(h, w2_ref[...], preferred_element_type=jnp.float32) + b2_ref[...], 0.0)
    h = jnp.maximum(
        jnp.dot(h, w3_ref[...], preferred_element_type=jnp.float32) + b3_ref[...], 0.0)
    deep = jnp.dot(h, wf_ref[...], preferred_element_type=jnp.float32) + bf_ref[...]
    wide = jnp.dot(d, ww_ref[...], preferred_element_type=jnp.float32) + bw_ref[...]
    out_ref[...] = jax.nn.sigmoid(0.5 * wide + 0.5 * deep)


def _tc_mlp(emb2d, dense, W1s, W1d, b1, W2, b2, W3, b3, Ww, bw, Wf, bf):
    b, fd = emb2d.shape
    nd = dense.shape[1]
    blk = 2048
    grid = (b // blk,)
    full = lambda a: pl.BlockSpec(a.shape, lambda i: (0, 0))
    return pl.pallas_call(
        _mlp_body,
        grid=grid,
        in_specs=[
            pl.BlockSpec((blk, fd), lambda i: (i, 0)),
            pl.BlockSpec((blk, nd), lambda i: (i, 0)),
            full(W1s), full(W1d), full(b1), full(W2), full(b2),
            full(W3), full(b3), full(Ww), full(bw), full(Wf), full(bf),
        ],
        out_specs=pl.BlockSpec((blk, 1), lambda i: (i, 0)),
        out_shape=jax.ShapeDtypeStruct((b, 1), jnp.float32),
    )(emb2d, dense, W1s, W1d, b1, W2, b2, W3, b3, Ww, bw, Wf, bf)


def kernel(dense_inputs, sparse_inputs, tables, W1, b1, W2, b2, W3, b3,
           W_wide, b_wide, W_final, b_final):
    b, f = sparse_inputs.shape
    v, d = tables.shape[1], tables.shape[2]
    table_1d = jnp.swapaxes(tables, 1, 2).reshape(f * d * v)
    lpr = 128 // d
    nrow = (b * f) // lpr
    pos = jnp.arange(128, dtype=jnp.int32)[None, :]
    look = jnp.arange(nrow, dtype=jnp.int32)[:, None] * lpr + pos // d
    base2d = ((look % f) * d + pos % d) * v
    sel = (jnp.arange(lpr, dtype=jnp.int32)[:, None]
           == (jnp.arange(128, dtype=jnp.int32)[None, :] // d)).astype(jnp.float32)
    svalf = sparse_inputs.reshape(nrow, lpr).astype(jnp.float32)
    sval = jnp.dot(svalf, sel, preferred_element_type=jnp.float32,
                   precision=jax.lax.Precision.HIGHEST).astype(jnp.int32)
    elem_idx = (sval + base2d).reshape(b * f * d)
    emb = _sc_gather_elem(table_1d, elem_idx)
    emb2d = emb.reshape(b, f * d)
    W1s, W1d = W1[: f * d], W1[f * d:]
    return _tc_mlp(
        emb2d, dense_inputs, W1s, W1d, b1.reshape(1, -1),
        W2, b2.reshape(1, -1), W3, b3.reshape(1, -1),
        W_wide, b_wide.reshape(1, -1), W_final, b_final.reshape(1, -1))

# --- scband reference (transcript-rebuilt; emitter-appended) ---
"""Pipeline reference for scband-wdl-model-9526237462539 (READ-ONLY COPY).

The authoritative reference and input builder live on the scoring server;
editing this copy changes nothing except your own understanding.
"""

import jax, jax.numpy as jnp
import numpy as np

B = 16384
ND = 13
F = 26
V = 100000
D = 16
HIDDEN = [256, 128, 64]


def setup_inputs(seed: int = 0) -> dict:
    key = jax.random.key(seed)
    ks = jax.random.split(key, 16)
    dense_inputs = jax.random.normal(ks[0], (B, ND), dtype=jnp.float32)
    sparse_inputs = jax.random.randint(ks[1], (B, F), 0, V, dtype=jnp.int32)
    tables = jax.random.uniform(ks[2], (F, V, D), minval=-0.05, maxval=0.05, dtype=jnp.float32)
    in_dim = F * D + ND
    W1 = jax.random.normal(ks[3], (in_dim, HIDDEN[0]), dtype=jnp.float32) * 0.05
    b1 = jnp.zeros((HIDDEN[0],), dtype=jnp.float32)
    W2 = jax.random.normal(ks[4], (HIDDEN[0], HIDDEN[1]), dtype=jnp.float32) * 0.05
    b2 = jnp.zeros((HIDDEN[1],), dtype=jnp.float32)
    W3 = jax.random.normal(ks[5], (HIDDEN[1], HIDDEN[2]), dtype=jnp.float32) * 0.05
    b3 = jnp.zeros((HIDDEN[2],), dtype=jnp.float32)
    W_wide = jax.random.normal(ks[6], (ND, 1), dtype=jnp.float32) * 0.05
    b_wide = jnp.zeros((1,), dtype=jnp.float32)
    W_final = jax.random.normal(ks[7], (HIDDEN[2], 1), dtype=jnp.float32) * 0.05
    b_final = jnp.zeros((1,), dtype=jnp.float32)
    return {
        "dense_inputs": dense_inputs,
        "sparse_inputs": sparse_inputs,
        "tables": tables,
        "W1": W1, "b1": b1,
        "W2": W2, "b2": b2,
        "W3": W3, "b3": b3,
        "W_wide": W_wide, "b_wide": b_wide,
        "W_final": W_final, "b_final": b_final,
    }


def reference(dense_inputs, sparse_inputs, tables, W1, b1, W2, b2, W3, b3, W_wide, b_wide, W_final, b_final):
    # per-field embedding lookup: tables[f, sparse[:, f]] for each field f
    field_idx = jnp.arange(F)[None, :]  # [1, F]
    emb = tables[field_idx, sparse_inputs]  # [B, F, D]
    sparse_embed = emb.reshape(emb.shape[0], F * D)  # concat over fields, [B, F*D]
    x = jnp.concatenate([sparse_embed, dense_inputs], axis=-1)  # [B, F*D + ND]
    # wide part
    wide_out = dense_inputs @ W_wide + b_wide  # [B, 1]
    # deep part (dropout inactive at inference)
    h = jax.nn.relu(x @ W1 + b1)
    h = jax.nn.relu(h @ W2 + b2)
    h = jax.nn.relu(h @ W3 + b3)
    deep_out = h @ W_final + b_final  # [B, 1]
    outputs = jax.nn.sigmoid(0.5 * wide_out + 0.5 * deep_out)
    return outputs

if __name__ == "__main__":
    import jax
    _d = setup_inputs()
    print(jax.jit(kernel)(*tuple(_d.values())))

</pallas_src>

<mosaic_0001>
#map = affine_map<(d0, d1) -> (0)>
module attributes {stable_mosaic.version = 14 : i64} {
  func.func @_gather_body(%arg0: i32, %arg1: i32, %arg2: memref<41600000xf32, #tpu.memory_space<hbm>>, %arg3: memref<6815744xi32, #tpu.memory_space<hbm>>, %arg4: memref<6815744xf32, #tpu.memory_space<hbm>>, %arg5: memref<2x26624xi32, #tpu.memory_space<vmem>>, %arg6: memref<2x26624xf32, #tpu.memory_space<vmem>>, %arg7: memref<!tpu.dma_semaphore, #tpu.memory_space<semaphore_mem>>, %arg8: memref<!tpu.dma_semaphore, #tpu.memory_space<semaphore_mem>>, %arg9: memref<!tpu.dma_semaphore, #tpu.memory_space<semaphore_mem>>, %arg10: memref<!tpu.dma_semaphore, #tpu.memory_space<semaphore_mem>>, %arg11: memref<!tpu.dma_semaphore, #tpu.memory_space<semaphore_mem>>) attributes {dimension_semantics = [#tpu.dimension_semantics<core_parallel>, #tpu.dimension_semantics<subcore_parallel>], iteration_bounds = array<i64: 2, 16>, scalar_prefetch = 0 : i64, scratch_operands = 7 : i64, tpu.core_type = #tpu.core_type<sc_vector_subcore>, window_params = [{transform_indices = #map}, {transform_indices = #map}, {transform_indices = #map}]} {
    %mul3A = arith.constant 2 : i32
    %mul3A_0 = arith.muli %arg1, %mul3A : i32
    %add3A = arith.addi %mul3A_0, %arg0 : i32
    %mul3A_1 = arith.constant 212992 : i32
    %mul3A_2 = arith.muli %add3A, %mul3A_1 : i32
    %add3A_3 = arith.constant 0 : i32
    %add3A_4 = arith.addi %mul3A_2, %add3A_3 : i32
    %dma_start3A = arith.constant 0 : i32
    %dma_start3A_5 = arith.constant 0 : i32
    %dma_start3A_6 = tpu.memref_slice %arg5[%dma_start3A, %dma_start3A_5] : memref<2x26624xi32, #tpu.memory_space<vmem>> -> memref<1x26624xi32, #tpu.memory_space<vmem>>
    %dma_start3A_7 = tpu.memref_squeeze %dma_start3A_6 : memref<1x26624xi32, #tpu.memory_space<vmem>> -> memref<26624xi32, #tpu.memory_space<vmem>>
    %dma_start3A_8 = tpu.memref_slice %arg3[%add3A_4] : memref<6815744xi32, #tpu.memory_space<hbm>> -> memref<26624xi32, #tpu.memory_space<hbm>>
    %dma_start3A_9 = arith.constant 0 : i32
    %dma_start3A_10 = tpu.memref_slice %arg5[%dma_start3A, %dma_start3A_9] : memref<2x26624xi32, #tpu.memory_space<vmem>> -> memref<1x26624xi32, #tpu.memory_space<vmem>>
    %dma_start3A_11 = tpu.memref_squeeze %dma_start3A_10 : memref<1x26624xi32, #tpu.memory_space<vmem>> -> memref<26624xi32, #tpu.memory_space<vmem>>
    %dma_start3A_12 = tpu.memref_slice %arg3[%add3A_4] : memref<6815744xi32, #tpu.memory_space<hbm>> -> memref<26624xi32, #tpu.memory_space<hbm>>
    tpu.enqueue_dma source(%dma_start3A_12 : memref<26624xi32, #tpu.memory_space<hbm>>) target(%dma_start3A_11 : memref<26624xi32, #tpu.memory_space<vmem>>) target_semaphore(%arg7 : memref<!tpu.dma_semaphore, #tpu.memory_space<semaphore_mem>>)
    %dma_wait3A = arith.constant 0 : i32
    %dma_wait3A_13 = arith.constant 0 : i32
    %dma_wait3A_14 = tpu.memref_slice %arg5[%dma_wait3A, %dma_wait3A_13] : memref<2x26624xi32, #tpu.memory_space<vmem>> -> memref<1x26624xi32, #tpu.memory_space<vmem>>
    %dma_wait3A_15 = tpu.memref_squeeze %dma_wait3A_14 : memref<1x26624xi32, #tpu.memory_space<vmem>> -> memref<26624xi32, #tpu.memory_space<vmem>>
    %dma_wait3A_16 = tpu.memref_slice %arg3[%add3A_4] : memref<6815744xi32, #tpu.memory_space<hbm>> -> memref<26624xi32, #tpu.memory_space<hbm>>
    %dma_wait3A_17 = arith.constant 0 : i32
    %dma_wait3A_18 = tpu.memref_slice %arg5[%dma_wait3A, %dma_wait3A_17] : memref<2x26624xi32, #tpu.memory_space<vmem>> -> memref<1x26624xi32, #tpu.memory_space<vmem>>
    %dma_wait3A_19 = tpu.memref_squeeze %dma_wait3A_18 : memref<1x26624xi32, #tpu.memory_space<vmem>> -> memref<26624xi32, #tpu.memory_space<vmem>>
    %dma_wait3A_20 = tpu.memref_slice %arg3[%add3A_4] : memref<6815744xi32, #tpu.memory_space<hbm>> -> memref<26624xi32, #tpu.memory_space<hbm>>
    tpu.wait_dma2 semaphore(%arg7 : memref<!tpu.dma_semaphore, #tpu.memory_space<semaphore_mem>>) src(%dma_wait3A_20 : memref<26624xi32, #tpu.memory_space<hbm>>) dst(%dma_wait3A_19 : memref<26624xi32, #tpu.memory_space<vmem>>)
    %add3A_21 = arith.constant 26624 : i32
    %add3A_22 = arith.addi %mul3A_2, %add3A_21 : i32
    %dma_start3A_23 = arith.constant 1 : i32
    %dma_start3A_24 = arith.constant 0 : i32
    %dma_start3A_25 = tpu.memref_slice %arg5[%dma_start3A_23, %dma_start3A_24] : memref<2x26624xi32, #tpu.memory_space<vmem>> -> memref<1x26624xi32, #tpu.memory_space<vmem>>
    %dma_start3A_26 = tpu.memref_squeeze %dma_start3A_25 : memref<1x26624xi32, #tpu.memory_space<vmem>> -> memref<26624xi32, #tpu.memory_space<vmem>>
    %dma_start3A_27 = tpu.memref_slice %arg3[%add3A_22] : memref<6815744xi32, #tpu.memory_space<hbm>> -> memref<26624xi32, #tpu.memory_space<hbm>>
    %dma_start3A_28 = arith.constant 0 : i32
    %dma_start3A_29 = tpu.memref_slice %arg5[%dma_start3A_23, %dma_start3A_28] : memref<2x26624xi32, #tpu.memory_space<vmem>> -> memref<1x26624xi32, #tpu.memory_space<vmem>>
    %dma_start3A_30 = tpu.memref_squeeze %dma_start3A_29 : memref<1x26624xi32, #tpu.memory_space<vmem>> -> memref<26624xi32, #tpu.memory_space<vmem>>
    %dma_start3A_31 = tpu.memref_slice %arg3[%add3A_22] : memref<6815744xi32, #tpu.memory_space<hbm>> -> memref<26624xi32, #tpu.memory_space<hbm>>
    tpu.enqueue_dma source(%dma_start3A_31 : memref<26624xi32, #tpu.memory_space<hbm>>) target(%dma_start3A_30 : memref<26624xi32, #tpu.memory_space<vmem>>) target_semaphore(%arg8 : memref<!tpu.dma_semaphore, #tpu.memory_space<semaphore_mem>>)
    %dma_start3A_32 = arith.constant 0 : i32
    %dma_start3A_33 = arith.constant 0 : i32
    %dma_start3A_34 = arith.constant 0 : i32
    %dma_start3A_35 = tpu.memref_slice %arg6[%dma_start3A_33, %dma_start3A_34] : memref<2x26624xf32, #tpu.memory_space<vmem>> -> memref<1x26624xf32, #tpu.memory_space<vmem>>
    %dma_start3A_36 = tpu.memref_squeeze %dma_start3A_35 : memref<1x26624xf32, #tpu.memory_space<vmem>> -> memref<26624xf32, #tpu.memory_space<vmem>>
    %dma_start3A_37 = arith.constant 0 : i32
    %dma_start3A_38 = tpu.memref_slice %arg5[%dma_start3A_32, %dma_start3A_37] : memref<2x26624xi32, #tpu.memory_space<vmem>> -> memref<1x26624xi32, #tpu.memory_space<vmem>>
    %dma_start3A_39 = tpu.memref_squeeze %dma_start3A_38 : memref<1x26624xi32, #tpu.memory_space<vmem>> -> memref<26624xi32, #tpu.memory_space<vmem>>
    %dma_start3A_40 = arith.constant 0 : i32
    %dma_start3A_41 = tpu.memref_slice %arg2[%dma_start3A_40] : memref<41600000xf32, #tpu.memory_space<hbm>> -> memref<41600000xf32, #tpu.memory_space<hbm>>
    tpu.enqueue_indirect_dma source(%dma_start3A_41 : memref<41600000xf32, #tpu.memory_space<hbm>>) target(%dma_start3A_36 : memref<26624xf32, #tpu.memory_space<vmem>>) offsets(%dma_start3A_39 : memref<26624xi32, #tpu.memory_space<vmem>>) semaphore(%arg9 : memref<!tpu.dma_semaphore, #tpu.memory_space<semaphore_mem>>)
    %dma_wait3A_42 = arith.constant 0 : i32
    %dma_wait3A_43 = arith.constant 0 : i32
    %dma_wait3A_44 = arith.constant 0 : i32
    %dma_wait3A_45 = tpu.memref_slice %arg6[%dma_wait3A_43, %dma_wait3A_44] : memref<2x26624xf32, #tpu.memory_space<vmem>> -> memref<1x26624xf32, #tpu.memory_space<vmem>>
    %dma_wait3A_46 = tpu.memref_squeeze %dma_wait3A_45 : memref<1x26624xf32, #tpu.memory_space<vmem>> -> memref<26624xf32, #tpu.memory_space<vmem>>
    %dma_wait3A_47 = arith.constant 0 : i32
    %dma_wait3A_48 = tpu.memref_slice %arg5[%dma_wait3A_42, %dma_wait3A_47] : memref<2x26624xi32, #tpu.memory_space<vmem>> -> memref<1x26624xi32, #tpu.memory_space<vmem>>
    %dma_wait3A_49 = tpu.memref_squeeze %dma_wait3A_48 : memref<1x26624xi32, #tpu.memory_space<vmem>> -> memref<26624xi32, #tpu.memory_space<vmem>>
    %dma_wait3A_50 = arith.constant 0 : i32
    %dma_wait3A_51 = tpu.memref_slice %arg2[%dma_wait3A_50] : memref<41600000xf32, #tpu.memory_space<hbm>> -> memref<41600000xf32, #tpu.memory_space<hbm>>
    tpu.wait_indirect_dma semaphore(%arg9 : memref<!tpu.dma_semaphore, #tpu.memory_space<semaphore_mem>>) src(%dma_wait3A_51 : memref<41600000xf32, #tpu.memory_space<hbm>>) dst(%dma_wait3A_46 : memref<26624xf32, #tpu.memory_space<vmem>>)
    %add3A_52 = arith.constant 0 : i32
    %add3A_53 = arith.addi %mul3A_2, %add3A_52 : i32
    %dma_start3A_54 = arith.constant 0 : i32
    %dma_start3A_55 = arith.constant 0 : i32
    %dma_start3A_56 = tpu.memref_slice %arg6[%dma_start3A_54, %dma_start3A_55] : memref<2x26624xf32, #tpu.memory_space<vmem>> -> memref<1x26624xf32, #tpu.memory_space<vmem>>
    %dma_start3A_57 = tpu.memref_squeeze %dma_start3A_56 : memref<1x26624xf32, #tpu.memory_space<vmem>> -> memref<26624xf32, #tpu.memory_space<vmem>>
    %dma_start3A_58 = tpu.memref_slice %arg4[%add3A_53] : memref<6815744xf32, #tpu.memory_space<hbm>> -> memref<26624xf32, #tpu.memory_space<hbm>>
    %dma_start3A_59 = tpu.memref_slice %arg4[%add3A_53] : memref<6815744xf32, #tpu.memory_space<hbm>> -> memref<26624xf32, #tpu.memory_space<hbm>>
    %dma_start3A_60 = arith.constant 0 : i32
    %dma_start3A_61 = tpu.memref_slice %arg6[%dma_start3A_54, %dma_start3A_60] : memref<2x26624xf32, #tpu.memory_space<vmem>> -> memref<1x26624xf32, #tpu.memory_space<vmem>>
    %dma_start3A_62 = tpu.memref_squeeze %dma_start3A_61 : memref<1x26624xf32, #tpu.memory_space<vmem>> -> memref<26624xf32, #tpu.memory_space<vmem>>
    tpu.enqueue_dma source(%dma_start3A_62 : memref<26624xf32, #tpu.memory_space<vmem>>) target(%dma_start3A_59 : memref<26624xf32, #tpu.memory_space<hbm>>) target_semaphore(%arg10 : memref<!tpu.dma_semaphore, #tpu.memory_space<semaphore_mem>>)
    %dma_wait3A_63 = arith.constant 1 : i32
    %dma_wait3A_64 = arith.constant 0 : i32
    %dma_wait3A_65 = tpu.memref_slice %arg5[%dma_wait3A_63, %dma_wait3A_64] : memref<2x26624xi32, #tpu.memory_space<vmem>> -> memref<1x26624xi32, #tpu.memory_space<vmem>>
    %dma_wait3A_66 = tpu.memref_squeeze %dma_wait3A_65 : memref<1x26624xi32, #tpu.memory_space<vmem>> -> memref<26624xi32, #tpu.memory_space<vmem>>
    %dma_wait3A_67 = tpu.memref_slice %arg3[%add3A_22] : memref<6815744xi32, #tpu.memory_space<hbm>> -> memref<26624xi32, #tpu.memory_space<hbm>>
    %dma_wait3A_68 = arith.constant 0 : i32
    %dma_wait3A_69 = tpu.memref_slice %arg5[%dma_wait3A_63, %dma_wait3A_68] : memref<2x26624xi32, #tpu.memory_space<vmem>> -> memref<1x26624xi32, #tpu.memory_space<vmem>>
    %dma_wait3A_70 = tpu.memref_squeeze %dma_wait3A_69 : memref<1x26624xi32, #tpu.memory_space<vmem>> -> memref<26624xi32, #tpu.memory_space<vmem>>
    %dma_wait3A_71 = tpu.memref_slice %arg3[%add3A_22] : memref<6815744xi32, #tpu.memory_space<hbm>> -> memref<26624xi32, #tpu.memory_space<hbm>>
    tpu.wait_dma2 semaphore(%arg8 : memref<!tpu.dma_semaphore, #tpu.memory_space<semaphore_mem>>) src(%dma_wait3A_71 : memref<26624xi32, #tpu.memory_space<hbm>>) dst(%dma_wait3A_70 : memref<26624xi32, #tpu.memory_space<vmem>>)
    %add3A_72 = arith.constant 53248 : i32
    %add3A_73 = arith.addi %mul3A_2, %add3A_72 : i32
    %dma_start3A_74 = arith.constant 0 : i32
    %dma_start3A_75 = arith.constant 0 : i32
    %dma_start3A_76 = tpu.memref_slice %arg5[%dma_start3A_74, %dma_start3A_75] : memref<2x26624xi32, #tpu.memory_space<vmem>> -> memref<1x26624xi32, #tpu.memory_space<vmem>>
    %dma_start3A_77 = tpu.memref_squeeze %dma_start3A_76 : memref<1x26624xi32, #tpu.memory_space<vmem>> -> memref<26624xi32, #tpu.memory_space<vmem>>
    %dma_start3A_78 = tpu.memref_slice %arg3[%add3A_73] : memref<6815744xi32, #tpu.memory_space<hbm>> -> memref<26624xi32, #tpu.memory_space<hbm>>
    %dma_start3A_79 = arith.constant 0 : i32
    %dma_start3A_80 = tpu.memref_slice %arg5[%dma_start3A_74, %dma_start3A_79] : memref<2x26624xi32, #tpu.memory_space<vmem>> -> memref<1x26624xi32, #tpu.memory_space<vmem>>
    %dma_start3A_81 = tpu.memref_squeeze %dma_start3A_80 : memref<1x26624xi32, #tpu.memory_space<vmem>> -> memref<26624xi32, #tpu.memory_space<vmem>>
    %dma_start3A_82 = tpu.memref_slice %arg3[%add3A_73] : memref<6815744xi32, #tpu.memory_space<hbm>> -> memref<26624xi32, #tpu.memory_space<hbm>>
    tpu.enqueue_dma source(%dma_start3A_82 : memref<26624xi32, #tpu.memory_space<hbm>>) target(%dma_start3A_81 : memref<26624xi32, #tpu.memory_space<vmem>>) target_semaphore(%arg7 : memref<!tpu.dma_semaphore, #tpu.memory_space<semaphore_mem>>)
    %dma_start3A_83 = arith.constant 1 : i32
    %dma_start3A_84 = arith.constant 1 : i32
    %dma_start3A_85 = arith.constant 0 : i32
    %dma_start3A_86 = tpu.memref_slice %arg6[%dma_start3A_84, %dma_start3A_85] : memref<2x26624xf32, #tpu.memory_space<vmem>> -> memref<1x26624xf32, #tpu.memory_space<vmem>>
    %dma_start3A_87 = tpu.memref_squeeze %dma_start3A_86 : memref<1x26624xf32, #tpu.memory_space<vmem>> -> memref<26624xf32, #tpu.memory_space<vmem>>
    %dma_start3A_88 = arith.constant 0 : i32
    %dma_start3A_89 = tpu.memref_slice %arg5[%dma_start3A_83, %dma_start3A_88] : memref<2x26624xi32, #tpu.memory_space<vmem>> -> memref<1x26624xi32, #tpu.memory_space<vmem>>
    %dma_start3A_90 = tpu.memref_squeeze %dma_start3A_89 : memref<1x26624xi32, #tpu.memory_space<vmem>> -> memref<26624xi32, #tpu.memory_space<vmem>>
    %dma_start3A_91 = arith.constant 0 : i32
    %dma_start3A_92 = tpu.memref_slice %arg2[%dma_start3A_91] : memref<41600000xf32, #tpu.memory_space<hbm>> -> memref<41600000xf32, #tpu.memory_space<hbm>>
    tpu.enqueue_indirect_dma source(%dma_start3A_92 : memref<41600000xf32, #tpu.memory_space<hbm>>) target(%dma_start3A_87 : memref<26624xf32, #tpu.memory_space<vmem>>) offsets(%dma_start3A_90 : memref<26624xi32, #tpu.memory_space<vmem>>) semaphore(%arg9 : memref<!tpu.dma_semaphore, #tpu.memory_space<semaphore_mem>>)
    %dma_wait3A_93 = arith.constant 1 : i32
    %dma_wait3A_94 = arith.constant 1 : i32
    %dma_wait3A_95 = arith.constant 0 : i32
    %dma_wait3A_96 = tpu.memref_slice %arg6[%dma_wait3A_94, %dma_wait3A_95] : memref<2x26624xf32, #tpu.memory_space<vmem>> -> memref<1x26624xf32, #tpu.memory_space<vmem>>
    %dma_wait3A_97 = tpu.memref_squeeze %dma_wait3A_96 : memref<1x26624xf32, #tpu.memory_space<vmem>> -> memref<26624xf32, #tpu.memory_space<vmem>>
    %dma_wait3A_98 = arith.constant 0 : i32
    %dma_wait3A_99 = tpu.memref_slice %arg5[%dma_wait3A_93, %dma_wait3A_98] : memref<2x26624xi32, #tpu.memory_space<vmem>> -> memref<1x26624xi32, #tpu.memory_space<vmem>>
    %dma_wait3A_100 = tpu.memref_squeeze %dma_wait3A_99 : memref<1x26624xi32, #tpu.memory_space<vmem>> -> memref<26624xi32, #tpu.memory_space<vmem>>
    %dma_wait3A_101 = arith.constant 0 : i32
    %dma_wait3A_102 = tpu.memref_slice %arg2[%dma_wait3A_101] : memref<41600000xf32, #tpu.memory_space<hbm>> -> memref<41600000xf32, #tpu.memory_space<hbm>>
    tpu.wait_indirect_dma semaphore(%arg9 : memref<!tpu.dma_semaphore, #tpu.memory_space<semaphore_mem>>) src(%dma_wait3A_102 : memref<41600000xf32, #tpu.memory_space<hbm>>) dst(%dma_wait3A_97 : memref<26624xf32, #tpu.memory_space<vmem>>)
    %add3A_103 = arith.constant 26624 : i32
    %add3A_104 = arith.addi %mul3A_2, %add3A_103 : i32
    %dma_start3A_105 = arith.constant 1 : i32
    %dma_start3A_106 = arith.constant 0 : i32
    %dma_start3A_107 = tpu.memref_slice %arg6[%dma_start3A_105, %dma_start3A_106] : memref<2x26624xf32, #tpu.memory_space<vmem>> -> memref<1x26624xf32, #tpu.memory_space<vmem>>
    %dma_start3A_108 = tpu.memref_squeeze %dma_start3A_107 : memref<1x26624xf32, #tpu.memory_space<vmem>> -> memref<26624xf32, #tpu.memory_space<vmem>>
    %dma_start3A_109 = tpu.memref_slice %arg4[%add3A_104] : memref<6815744xf32, #tpu.memory_space<hbm>> -> memref<26624xf32, #tpu.memory_space<hbm>>
    %dma_start3A_110 = tpu.memref_slice %arg4[%add3A_104] : memref<6815744xf32, #tpu.memory_space<hbm>> -> memref<26624xf32, #tpu.memory_space<hbm>>
    %dma_start3A_111 = arith.constant 0 : i32
    %dma_start3A_112 = tpu.memref_slice %arg6[%dma_start3A_105, %dma_start3A_111] : memref<2x26624xf32, #tpu.memory_space<vmem>> -> memref<1x26624xf32, #tpu.memory_space<vmem>>
    %dma_start3A_113 = tpu.memref_squeeze %dma_start3A_112 : memref<1x26624xf32, #tpu.memory_space<vmem>> -> memref<26624xf32, #tpu.memory_space<vmem>>
    tpu.enqueue_dma source(%dma_start3A_113 : memref<26624xf32, #tpu.memory_space<vmem>>) target(%dma_start3A_110 : memref<26624xf32, #tpu.memory_space<hbm>>) target_semaphore(%arg11 : memref<!tpu.dma_semaphore, #tpu.memory_space<semaphore_mem>>)
    %dma_wait3A_114 = arith.constant 0 : i32
    %dma_wait3A_115 = arith.constant 0 : i32
    %dma_wait3A_116 = tpu.memref_slice %arg5[%dma_wait3A_114, %dma_wait3A_115] : memref<2x26624xi32, #tpu.memory_space<vmem>> -> memref<1x26624xi32, #tpu.memory_space<vmem>>
    %dma_wait3A_117 = tpu.memref_squeeze %dma_wait3A_116 : memref<1x26624xi32, #tpu.memory_space<vmem>> -> memref<26624xi32, #tpu.memory_space<vmem>>
    %dma_wait3A_118 = tpu.memref_slice %arg3[%add3A_73] : memref<6815744xi32, #tpu.memory_space<hbm>> -> memref<26624xi32, #tpu.memory_space<hbm>>
    %dma_wait3A_119 = arith.constant 0 : i32
    %dma_wait3A_120 = tpu.memref_slice %arg5[%dma_wait3A_114, %dma_wait3A_119] : memref<2x26624xi32, #tpu.memory_space<vmem>> -> memref<1x26624xi32, #tpu.memory_space<vmem>>
    %dma_wait3A_121 = tpu.memref_squeeze %dma_wait3A_120 : memref<1x26624xi32, #tpu.memory_space<vmem>> -> memref<26624xi32, #tpu.memory_space<vmem>>
    %dma_wait3A_122 = tpu.memref_slice %arg3[%add3A_73] : memref<6815744xi32, #tpu.memory_space<hbm>> -> memref<26624xi32, #tpu.memory_space<hbm>>
    tpu.wait_dma2 semaphore(%arg7 : memref<!tpu.dma_semaphore, #tpu.memory_space<semaphore_mem>>) src(%dma_wait3A_122 : memref<26624xi32, #tpu.memory_space<hbm>>) dst(%dma_wait3A_121 : memref<26624xi32, #tpu.memory_space<vmem>>)
    %add3A_123 = arith.constant 79872 : i32
    %add3A_124 = arith.addi %mul3A_2, %add3A_123 : i32
    %dma_start3A_125 = arith.constant 1 : i32
    %dma_start3A_126 = arith.constant 0 : i32
    %dma_start3A_127 = tpu.memref_slice %arg5[%dma_start3A_125, %dma_start3A_126] : memref<2x26624xi32, #tpu.memory_space<vmem>> -> memref<1x26624xi32, #tpu.memory_space<vmem>>
    %dma_start3A_128 = tpu.memref_squeeze %dma_start3A_127 : memref<1x26624xi32, #tpu.memory_space<vmem>> -> memref<26624xi32, #tpu.memory_space<vmem>>
    %dma_start3A_129 = tpu.memref_slice %arg3[%add3A_124] : memref<6815744xi32, #tpu.memory_space<hbm>> -> memref<26624xi32, #tpu.memory_space<hbm>>
    %dma_start3A_130 = arith.constant 0 : i32
    %dma_start3A_131 = tpu.memref_slice %arg5[%dma_start3A_125, %dma_start3A_130] : memref<2x26624xi32, #tpu.memory_space<vmem>> -> memref<1x26624xi32, #tpu.memory_space<vmem>>
    %dma_start3A_132 = tpu.memref_squeeze %dma_start3A_131 : memref<1x26624xi32, #tpu.memory_space<vmem>> -> memref<26624xi32, #tpu.memory_space<vmem>>
    %dma_start3A_133 = tpu.memref_slice %arg3[%add3A_124] : memref<6815744xi32, #tpu.memory_space<hbm>> -> memref<26624xi32, #tpu.memory_space<hbm>>
    tpu.enqueue_dma source(%dma_start3A_133 : memref<26624xi32, #tpu.memory_space<hbm>>) target(%dma_start3A_132 : memref<26624xi32, #tpu.memory_space<vmem>>) target_semaphore(%arg8 : memref<!tpu.dma_semaphore, #tpu.memory_space<semaphore_mem>>)
    %dma_wait3A_134 = arith.constant 0 : i32
    %dma_wait3A_135 = arith.constant 0 : i32
    %dma_wait3A_136 = tpu.memref_slice %arg6[%dma_wait3A_134, %dma_wait3A_135] : memref<2x26624xf32, #tpu.memory_space<vmem>> -> memref<1x26624xf32, #tpu.memory_space<vmem>>
    %dma_wait3A_137 = tpu.memref_squeeze %dma_wait3A_136 : memref<1x26624xf32, #tpu.memory_space<vmem>> -> memref<26624xf32, #tpu.memory_space<vmem>>
    %dma_wait3A_138 = tpu.memref_slice %arg4[%add3A_53] : memref<6815744xf32, #tpu.memory_space<hbm>> -> memref<26624xf32, #tpu.memory_space<hbm>>
    %dma_wait3A_139 = tpu.memref_slice %arg4[%add3A_53] : memref<6815744xf32, #tpu.memory_space<hbm>> -> memref<26624xf32, #tpu.memory_space<hbm>>
    %dma_wait3A_140 = arith.constant 0 : i32
    %dma_wait3A_141 = tpu.memref_slice %arg6[%dma_wait3A_134, %dma_wait3A_140] : memref<2x26624xf32, #tpu.memory_space<vmem>> -> memref<1x26624xf32, #tpu.memory_space<vmem>>
    %dma_wait3A_142 = tpu.memref_squeeze %dma_wait3A_141 : memref<1x26624xf32, #tpu.memory_space<vmem>> -> memref<26624xf32, #tpu.memory_space<vmem>>
    tpu.wait_dma2 semaphore(%arg10 : memref<!tpu.dma_semaphore, #tpu.memory_space<semaphore_mem>>) src(%dma_wait3A_142 : memref<26624xf32, #tpu.memory_space<vmem>>) dst(%dma_wait3A_139 : memref<26624xf32, #tpu.memory_space<hbm>>)
    %dma_start3A_143 = arith.constant 0 : i32
    %dma_start3A_144 = arith.constant 0 : i32
    %dma_start3A_145 = arith.constant 0 : i32
    %dma_start3A_146 = tpu.memref_slice %arg6[%dma_start3A_144, %dma_start3A_145] : memref<2x26624xf32, #tpu.memory_space<vmem>> -> memref<1x26624xf32, #tpu.memory_space<vmem>>
    %dma_start3A_147 = tpu.memref_squeeze %dma_start3A_146 : memref<1x26624xf32, #tpu.memory_space<vmem>> -> memref<26624xf32, #tpu.memory_space<vmem>>
    %dma_start3A_148 = arith.constant 0 : i32
    %dma_start3A_149 = tpu.memref_slice %arg5[%dma_start3A_143, %dma_start3A_148] : memref<2x26624xi32, #tpu.memory_space<vmem>> -> memref<1x26624xi32, #tpu.memory_space<vmem>>
    %dma_start3A_150 = tpu.memref_squeeze %dma_start3A_149 : memref<1x26624xi32, #tpu.memory_space<vmem>> -> memref<26624xi32, #tpu.memory_space<vmem>>
    %dma_start3A_151 = arith.constant 0 : i32
    %dma_start3A_152 = tpu.memref_slice %arg2[%dma_start3A_151] : memref<41600000xf32, #tpu.memory_space<hbm>> -> memref<41600000xf32, #tpu.memory_space<hbm>>
    tpu.enqueue_indirect_dma source(%dma_start3A_152 : memref<41600000xf32, #tpu.memory_space<hbm>>) target(%dma_start3A_147 : memref<26624xf32, #tpu.memory_space<vmem>>) offsets(%dma_start3A_150 : memref<26624xi32, #tpu.memory_space<vmem>>) semaphore(%arg9 : memref<!tpu.dma_semaphore, #tpu.memory_space<semaphore_mem>>)
    %dma_wait3A_153 = arith.constant 0 : i32
    %dma_wait3A_154 = arith.constant 0 : i32
    %dma_wait3A_155 = arith.constant 0 : i32
    %dma_wait3A_156 = tpu.memref_slice %arg6[%dma_wait3A_154, %dma_wait3A_155] : memref<2x26624xf32, #tpu.memory_space<vmem>> -> memref<1x26624xf32, #tpu.memory_space<vmem>>
    %dma_wait3A_157 = tpu.memref_squeeze %dma_wait3A_156 : memref<1x26624xf32, #tpu.memory_space<vmem>> -> memref<26624xf32, #tpu.memory_space<vmem>>
    %dma_wait3A_158 = arith.constant 0 : i32
    %dma_wait3A_159 = tpu.memref_slice %arg5[%dma_wait3A_153, %dma_wait3A_158] : memref<2x26624xi32, #tpu.memory_space<vmem>> -> memref<1x26624xi32, #tpu.memory_space<vmem>>
    %dma_wait3A_160 = tpu.memref_squeeze %dma_wait3A_159 : memref<1x26624xi32, #tpu.memory_space<vmem>> -> memref<26624xi32, #tpu.memory_space<vmem>>
    %dma_wait3A_161 = arith.constant 0 : i32
    %dma_wait3A_162 = tpu.memref_slice %arg2[%dma_wait3A_161] : memref<41600000xf32, #tpu.memory_space<hbm>> -> memref<41600000xf32, #tpu.memory_space<hbm>>
    tpu.wait_indirect_dma semaphore(%arg9 : memref<!tpu.dma_semaphore, #tpu.memory_space<semaphore_mem>>) src(%dma_wait3A_162 : memref<41600000xf32, #tpu.memory_space<hbm>>) dst(%dma_wait3A_157 : memref<26624xf32, #tpu.memory_space<vmem>>)
    %add3A_163 = arith.constant 53248 : i32
    %add3A_164 = arith.addi %mul3A_2, %add3A_163 : i32
    %dma_start3A_165 = arith.constant 0 : i32
    %dma_start3A_166 = arith.constant 0 : i32
    %dma_start3A_167 = tpu.memref_slice %arg6[%dma_start3A_165, %dma_start3A_166] : memref<2x26624xf32, #tpu.memory_space<vmem>> -> memref<1x26624xf32, #tpu.memory_space<vmem>>
    %dma_start3A_168 = tpu.memref_squeeze %dma_start3A_167 : memref<1x26624xf32, #tpu.memory_space<vmem>> -> memref<26624xf32, #tpu.memory_space<vmem>>
    %dma_start3A_169 = tpu.memref_slice %arg4[%add3A_164] : memref<6815744xf32, #tpu.memory_space<hbm>> -> memref<26624xf32, #tpu.memory_space<hbm>>
    %dma_start3A_170 = tpu.memref_slice %arg4[%add3A_164] : memref<6815744xf32, #tpu.memory_space<hbm>> -> memref<26624xf32, #tpu.memory_space<hbm>>
    %dma_start3A_171 = arith.constant 0 : i32
    %dma_start3A_172 = tpu.memref_slice %arg6[%dma_start3A_165, %dma_start3A_171] : memref<2x26624xf32, #tpu.memory_space<vmem>> -> memref<1x26624xf32, #tpu.memory_space<vmem>>
    %dma_start3A_173 = tpu.memref_squeeze %dma_start3A_172 : memref<1x26624xf32, #tpu.memory_space<vmem>> -> memref<26624xf32, #tpu.memory_space<vmem>>
    tpu.enqueue_dma source(%dma_start3A_173 : memref<26624xf32, #tpu.memory_space<vmem>>) target(%dma_start3A_170 : memref<26624xf32, #tpu.memory_space<hbm>>) target_semaphore(%arg10 : memref<!tpu.dma_semaphore, #tpu.memory_space<semaphore_mem>>)
    %dma_wait3A_174 = arith.constant 1 : i32
    %dma_wait3A_175 = arith.constant 0 : i32
    %dma_wait3A_176 = tpu.memref_slice %arg5[%dma_wait3A_174, %dma_wait3A_175] : memref<2x26624xi32, #tpu.memory_space<vmem>> -> memref<1x26624xi32, #tpu.memory_space<vmem>>
    %dma_wait3A_177 = tpu.memref_squeeze %dma_wait3A_176 : memref<1x26624xi32, #tpu.memory_space<vmem>> -> memref<26624xi32, #tpu.memory_space<vmem>>
    %dma_wait3A_178 = tpu.memref_slice %arg3[%add3A_124] : memref<6815744xi32, #tpu.memory_space<hbm>> -> memref<26624xi32, #tpu.memory_space<hbm>>
    %dma_wait3A_179 = arith.constant 0 : i32
    %dma_wait3A_180 = tpu.memref_slice %arg5[%dma_wait3A_174, %dma_wait3A_179] : memref<2x26624xi32, #tpu.memory_space<vmem>> -> memref<1x26624xi32, #tpu.memory_space<vmem>>
    %dma_wait3A_181 = tpu.memref_squeeze %dma_wait3A_180 : memref<1x26624xi32, #tpu.memory_space<vmem>> -> memref<26624xi32, #tpu.memory_space<vmem>>
    %dma_wait3A_182 = tpu.memref_slice %arg3[%add3A_124] : memref<6815744xi32, #tpu.memory_space<hbm>> -> memref<26624xi32, #tpu.memory_space<hbm>>
    tpu.wait_dma2 semaphore(%arg8 : memref<!tpu.dma_semaphore, #tpu.memory_space<semaphore_mem>>) src(%dma_wait3A_182 : memref<26624xi32, #tpu.memory_space<hbm>>) dst(%dma_wait3A_181 : memref<26624xi32, #tpu.memory_space<vmem>>)
    %add3A_183 = arith.constant 106496 : i32
    %add3A_184 = arith.addi %mul3A_2, %add3A_183 : i32
    %dma_start3A_185 = arith.constant 0 : i32
    %dma_start3A_186 = arith.constant 0 : i32
    %dma_start3A_187 = tpu.memref_slice %arg5[%dma_start3A_185, %dma_start3A_186] : memref<2x26624xi32, #tpu.memory_space<vmem>> -> memref<1x26624xi32, #tpu.memory_space<vmem>>
    %dma_start3A_188 = tpu.memref_squeeze %dma_start3A_187 : memref<1x26624xi32, #tpu.memory_space<vmem>> -> memref<26624xi32, #tpu.memory_space<vmem>>
    %dma_start3A_189 = tpu.memref_slice %arg3[%add3A_184] : memref<6815744xi32, #tpu.memory_space<hbm>> -> memref<26624xi32, #tpu.memory_space<hbm>>
    %dma_start3A_190 = arith.constant 0 : i32
    %dma_start3A_191 = tpu.memref_slice %arg5[%dma_start3A_185, %dma_start3A_190] : memref<2x26624xi32, #tpu.memory_space<vmem>> -> memref<1x26624xi32, #tpu.memory_space<vmem>>
    %dma_start3A_192 = tpu.memref_squeeze %dma_start3A_191 : memref<1x26624xi32, #tpu.memory_space<vmem>> -> memref<26624xi32, #tpu.memory_space<vmem>>
    %dma_start3A_193 = tpu.memref_slice %arg3[%add3A_184] : memref<6815744xi32, #tpu.memory_space<hbm>> -> memref<26624xi32, #tpu.memory_space<hbm>>
    tpu.enqueue_dma source(%dma_start3A_193 : memref<26624xi32, #tpu.memory_space<hbm>>) target(%dma_start3A_192 : memref<26624xi32, #tpu.memory_space<vmem>>) target_semaphore(%arg7 : memref<!tpu.dma_semaphore, #tpu.memory_space<semaphore_mem>>)
    %dma_wait3A_194 = arith.constant 1 : i32
    %dma_wait3A_195 = arith.constant 0 : i32
    %dma_wait3A_196 = tpu.memref_slice %arg6[%dma_wait3A_194, %dma_wait3A_195] : memref<2x26624xf32, #tpu.memory_space<vmem>> -> memref<1x26624xf32, #tpu.memory_space<vmem>>
    %dma_wait3A_197 = tpu.memref_squeeze %dma_wait3A_196 : memref<1x26624xf32, #tpu.memory_space<vmem>> -> memref<26624xf32, #tpu.memory_space<vmem>>
    %dma_wait3A_198 = tpu.memref_slice %arg4[%add3A_104] : memref<6815744xf32, #tpu.memory_space<hbm>> -> memref<26624xf32, #tpu.memory_space<hbm>>
    %dma_wait3A_199 = tpu.memref_slice %arg4[%add3A_104] : memref<6815744xf32, #tpu.memory_space<hbm>> -> memref<26624xf32, #tpu.memory_space<hbm>>
    %dma_wait3A_200 = arith.constant 0 : i32
    %dma_wait3A_201 = tpu.memref_slice %arg6[%dma_wait3A_194, %dma_wait3A_200] : memref<2x26624xf32, #tpu.memory_space<vmem>> -> memref<1x26624xf32, #tpu.memory_space<vmem>>
    %dma_wait3A_202 = tpu.memref_squeeze %dma_wait3A_201 : memref<1x26624xf32, #tpu.memory_space<vmem>> -> memref<26624xf32, #tpu.memory_space<vmem>>
    tpu.wait_dma2 semaphore(%arg11 : memref<!tpu.dma_semaphore, #tpu.memory_space<semaphore_mem>>) src(%dma_wait3A_202 : memref<26624xf32, #tpu.memory_space<vmem>>) dst(%dma_wait3A_199 : memref<26624xf32, #tpu.memory_space<hbm>>)
    %dma_start3A_203 = arith.constant 1 : i32
    %dma_start3A_204 = arith.constant 1 : i32
    %dma_start3A_205 = arith.constant 0 : i32
    %dma_start3A_206 = tpu.memref_slice %arg6[%dma_start3A_204, %dma_start3A_205] : memref<2x26624xf32, #tpu.memory_space<vmem>> -> memref<1x26624xf32, #tpu.memory_space<vmem>>
    %dma_start3A_207 = tpu.memref_squeeze %dma_start3A_206 : memref<1x26624xf32, #tpu.memory_space<vmem>> -> memref<26624xf32, #tpu.memory_space<vmem>>
    %dma_start3A_208 = arith.constant 0 : i32
    %dma_start3A_209 = tpu.memref_slice %arg5[%dma_start3A_203, %dma_start3A_208] : memref<2x26624xi32, #tpu.memory_space<vmem>> -> memref<1x26624xi32, #tpu.memory_space<vmem>>
    %dma_start3A_210 = tpu.memref_squeeze %dma_start3A_209 : memref<1x26624xi32, #tpu.memory_space<vmem>> -> memref<26624xi32, #tpu.memory_space<vmem>>
    %dma_start3A_211 = arith.constant 0 : i32
    %dma_start3A_212 = tpu.memref_slice %arg2[%dma_start3A_211] : memref<41600000xf32, #tpu.memory_space<hbm>> -> memref<41600000xf32, #tpu.memory_space<hbm>>
    tpu.enqueue_indirect_dma source(%dma_start3A_212 : memref<41600000xf32, #tpu.memory_space<hbm>>) target(%dma_start3A_207 : memref<26624xf32, #tpu.memory_space<vmem>>) offsets(%dma_start3A_210 : memref<26624xi32, #tpu.memory_space<vmem>>) semaphore(%arg9 : memref<!tpu.dma_semaphore, #tpu.memory_space<semaphore_mem>>)
    %dma_wait3A_213 = arith.constant 1 : i32
    %dma_wait3A_214 = arith.constant 1 : i32
    %dma_wait3A_215 = arith.constant 0 : i32
    %dma_wait3A_216 = tpu.memref_slice %arg6[%dma_wait3A_214, %dma_wait3A_215] : memref<2x26624xf32, #tpu.memory_space<vmem>> -> memref<1x26624xf32, #tpu.memory_space<vmem>>
    %dma_wait3A_217 = tpu.memref_squeeze %dma_wait3A_216 : memref<1x26624xf32, #tpu.memory_space<vmem>> -> memref<26624xf32, #tpu.memory_space<vmem>>
    %dma_wait3A_218 = arith.constant 0 : i32
    %dma_wait3A_219 = tpu.memref_slice %arg5[%dma_wait3A_213, %dma_wait3A_218] : memref<2x26624xi32, #tpu.memory_space<vmem>> -> memref<1x26624xi32, #tpu.memory_space<vmem>>
    %dma_wait3A_220 = tpu.memref_squeeze %dma_wait3A_219 : memref<1x26624xi32, #tpu.memory_space<vmem>> -> memref<26624xi32, #tpu.memory_space<vmem>>
    %dma_wait3A_221 = arith.constant 0 : i32
    %dma_wait3A_222 = tpu.memref_slice %arg2[%dma_wait3A_221] : memref<41600000xf32, #tpu.memory_space<hbm>> -> memref<41600000xf32, #tpu.memory_space<hbm>>
    tpu.wait_indirect_dma semaphore(%arg9 : memref<!tpu.dma_semaphore, #tpu.memory_space<semaphore_mem>>) src(%dma_wait3A_222 : memref<41600000xf32, #tpu.memory_space<hbm>>) dst(%dma_wait3A_217 : memref<26624xf32, #tpu.memory_space<vmem>>)
    %add3A_223 = arith.constant 79872 : i32
    %add3A_224 = arith.addi %mul3A_2, %add3A_223 : i32
    %dma_start3A_225 = arith.constant 1 : i32
    %dma_start3A_226 = arith.constant 0 : i32
    %dma_start3A_227 = tpu.memref_slice %arg6[%dma_start3A_225, %dma_start3A_226] : memref<2x26624xf32, #tpu.memory_space<vmem>> -> memref<1x26624xf32, #tpu.memory_space<vmem>>
    %dma_start3A_228 = tpu.memref_squeeze %dma_start3A_227 : memref<1x26624xf32, #tpu.memory_space<vmem>> -> memref<26624xf32, #tpu.memory_space<vmem>>
    %dma_start3A_229 = tpu.memref_slice %arg4[%add3A_224] : memref<6815744xf32, #tpu.memory_space<hbm>> -> memref<26624xf32, #tpu.memory_space<hbm>>
    %dma_start3A_230 = tpu.memref_slice %arg4[%add3A_224] : memref<6815744xf32, #tpu.memory_space<hbm>> -> memref<26624xf32, #tpu.memory_space<hbm>>
    %dma_start3A_231 = arith.constant 0 : i32
    %dma_start3A_232 = tpu.memref_slice %arg6[%dma_start3A_225, %dma_start3A_231] : memref<2x26624xf32, #tpu.memory_space<vmem>> -> memref<1x26624xf32, #tpu.memory_space<vmem>>
    %dma_start3A_233 = tpu.memref_squeeze %dma_start3A_232 : memref<1x26624xf32, #tpu.memory_space<vmem>> -> memref<26624xf32, #tpu.memory_space<vmem>>
    tpu.enqueue_dma source(%dma_start3A_233 : memref<26624xf32, #tpu.memory_space<vmem>>) target(%dma_start3A_230 : memref<26624xf32, #tpu.memory_space<hbm>>) target_semaphore(%arg11 : memref<!tpu.dma_semaphore, #tpu.memory_space<semaphore_mem>>)
    %dma_wait3A_234 = arith.constant 0 : i32
    %dma_wait3A_235 = arith.constant 0 : i32
    %dma_wait3A_236 = tpu.memref_slice %arg5[%dma_wait3A_234, %dma_wait3A_235] : memref<2x26624xi32, #tpu.memory_space<vmem>> -> memref<1x26624xi32, #tpu.memory_space<vmem>>
    %dma_wait3A_237 = tpu.memref_squeeze %dma_wait3A_236 : memref<1x26624xi32, #tpu.memory_space<vmem>> -> memref<26624xi32, #tpu.memory_space<vmem>>
    %dma_wait3A_238 = tpu.memref_slice %arg3[%add3A_184] : memref<6815744xi32, #tpu.memory_space<hbm>> -> memref<26624xi32, #tpu.memory_space<hbm>>
    %dma_wait3A_239 = arith.constant 0 : i32
    %dma_wait3A_240 = tpu.memref_slice %arg5[%dma_wait3A_234, %dma_wait3A_239] : memref<2x26624xi32, #tpu.memory_space<vmem>> -> memref<1x26624xi32, #tpu.memory_space<vmem>>
    %dma_wait3A_241 = tpu.memref_squeeze %dma_wait3A_240 : memref<1x26624xi32, #tpu.memory_space<vmem>> -> memref<26624xi32, #tpu.memory_space<vmem>>
    %dma_wait3A_242 = tpu.memref_slice %arg3[%add3A_184] : memref<6815744xi32, #tpu.memory_space<hbm>> -> memref<26624xi32, #tpu.memory_space<hbm>>
    tpu.wait_dma2 semaphore(%arg7 : memref<!tpu.dma_semaphore, #tpu.memory_space<semaphore_mem>>) src(%dma_wait3A_242 : memref<26624xi32, #tpu.memory_space<hbm>>) dst(%dma_wait3A_241 : memref<26624xi32, #tpu.memory_space<vmem>>)
    %add3A_243 = arith.constant 133120 : i32
    %add3A_244 = arith.addi %mul3A_2, %add3A_243 : i32
    %dma_start3A_245 = arith.constant 1 : i32
    %dma_start3A_246 = arith.constant 0 : i32
    %dma_start3A_247 = tpu.memref_slice %arg5[%dma_start3A_245, %dma_start3A_246] : memref<2x26624xi32, #tpu.memory_space<vmem>> -> memref<1x26624xi32, #tpu.memory_space<vmem>>
    %dma_start3A_248 = tpu.memref_squeeze %dma_start3A_247 : memref<1x26624xi32, #tpu.memory_space<vmem>> -> memref<26624xi32, #tpu.memory_space<vmem>>
    %dma_start3A_249 = tpu.memref_slice %arg3[%add3A_244] : memref<6815744xi32, #tpu.memory_space<hbm>> -> memref<26624xi32, #tpu.memory_space<hbm>>
    %dma_start3A_250 = arith.constant 0 : i32
    %dma_start3A_251 = tpu.memref_slice %arg5[%dma_start3A_245, %dma_start3A_250] : memref<2x26624xi32, #tpu.memory_space<vmem>> -> memref<1x26624xi32, #tpu.memory_space<vmem>>
    %dma_start3A_252 = tpu.memref_squeeze %dma_start3A_251 : memref<1x26624xi32, #tpu.memory_space<vmem>> -> memref<26624xi32, #tpu.memory_space<vmem>>
    %dma_start3A_253 = tpu.memref_slice %arg3[%add3A_244] : memref<6815744xi32, #tpu.memory_space<hbm>> -> memref<26624xi32, #tpu.memory_space<hbm>>
    tpu.enqueue_dma source(%dma_start3A_253 : memref<26624xi32, #tpu.memory_space<hbm>>) target(%dma_start3A_252 : memref<26624xi32, #tpu.memory_space<vmem>>) target_semaphore(%arg8 : memref<!tpu.dma_semaphore, #tpu.memory_space<semaphore_mem>>)
    %dma_wait3A_254 = arith.constant 0 : i32
    %dma_wait3A_255 = arith.constant 0 : i32
    %dma_wait3A_256 = tpu.memref_slice %arg6[%dma_wait3A_254, %dma_wait3A_255] : memref<2x26624xf32, #tpu.memory_space<vmem>> -> memref<1x26624xf32, #tpu.memory_space<vmem>>
    %dma_wait3A_257 = tpu.memref_squeeze %dma_wait3A_256 : memref<1x26624xf32, #tpu.memory_space<vmem>> -> memref<26624xf32, #tpu.memory_space<vmem>>
    %dma_wait3A_258 = tpu.memref_slice %arg4[%add3A_164] : memref<6815744xf32, #tpu.memory_space<hbm>> -> memref<26624xf32, #tpu.memory_space<hbm>>
    %dma_wait3A_259 = tpu.memref_slice %arg4[%add3A_164] : memref<6815744xf32, #tpu.memory_space<hbm>> -> memref<26624xf32, #tpu.memory_space<hbm>>
    %dma_wait3A_260 = arith.constant 0 : i32
    %dma_wait3A_261 = tpu.memref_slice %arg6[%dma_wait3A_254, %dma_wait3A_260] : memref<2x26624xf32, #tpu.memory_space<vmem>> -> memref<1x26624xf32, #tpu.memory_space<vmem>>
    %dma_wait3A_262 = tpu.memref_squeeze %dma_wait3A_261 : memref<1x26624xf32, #tpu.memory_space<vmem>> -> memref<26624xf32, #tpu.memory_space<vmem>>
    tpu.wait_dma2 semaphore(%arg10 : memref<!tpu.dma_semaphore, #tpu.memory_space<semaphore_mem>>) src(%dma_wait3A_262 : memref<26624xf32, #tpu.memory_space<vmem>>) dst(%dma_wait3A_259 : memref<26624xf32, #tpu.memory_space<hbm>>)
    %dma_start3A_263 = arith.constant 0 : i32
    %dma_start3A_264 = arith.constant 0 : i32
    %dma_start3A_265 = arith.constant 0 : i32
    %dma_start3A_266 = tpu.memref_slice %arg6[%dma_start3A_264, %dma_start3A_265] : memref<2x26624xf32, #tpu.memory_space<vmem>> -> memref<1x26624xf32, #tpu.memory_space<vmem>>
    %dma_start3A_267 = tpu.memref_squeeze %dma_start3A_266 : memref<1x26624xf32, #tpu.memory_space<vmem>> -> memref<26624xf32, #tpu.memory_space<vmem>>
    %dma_start3A_268 = arith.constant 0 : i32
    %dma_start3A_269 = tpu.memref_slice %arg5[%dma_start3A_263, %dma_start3A_268] : memref<2x26624xi32, #tpu.memory_space<vmem>> -> memref<1x26624xi32, #tpu.memory_space<vmem>>
    %dma_start3A_270 = tpu.memref_squeeze %dma_start3A_269 : memref<1x26624xi32, #tpu.memory_space<vmem>> -> memref<26624xi32, #tpu.memory_space<vmem>>
    %dma_start3A_271 = arith.constant 0 : i32
    %dma_start3A_272 = tpu.memref_slice %arg2[%dma_start3A_271] : memref<41600000xf32, #tpu.memory_space<hbm>> -> memref<41600000xf32, #tpu.memory_space<hbm>>
    tpu.enqueue_indirect_dma source(%dma_start3A_272 : memref<41600000xf32, #tpu.memory_space<hbm>>) target(%dma_start3A_267 : memref<26624xf32, #tpu.memory_space<vmem>>) offsets(%dma_start3A_270 : memref<26624xi32, #tpu.memory_space<vmem>>) semaphore(%arg9 : memref<!tpu.dma_semaphore, #tpu.memory_space<semaphore_mem>>)
    %dma_wait3A_273 = arith.constant 0 : i32
    %dma_wait3A_274 = arith.constant 0 : i32
    %dma_wait3A_275 = arith.constant 0 : i32
    %dma_wait3A_276 = tpu.memref_slice %arg6[%dma_wait3A_274, %dma_wait3A_275] : memref<2x26624xf32, #tpu.memory_space<vmem>> -> memref<1x26624xf32, #tpu.memory_space<vmem>>
    %dma_wait3A_277 = tpu.memref_squeeze %dma_wait3A_276 : memref<1x26624xf32, #tpu.memory_space<vmem>> -> memref<26624xf32, #tpu.memory_space<vmem>>
    %dma_wait3A_278 = arith.constant 0 : i32
    %dma_wait3A_279 = tpu.memref_slice %arg5[%dma_wait3A_273, %dma_wait3A_278] : memref<2x26624xi32, #tpu.memory_space<vmem>> -> memref<1x26624xi32, #tpu.memory_space<vmem>>
    %dma_wait3A_280 = tpu.memref_squeeze %dma_wait3A_279 : memref<1x26624xi32, #tpu.memory_space<vmem>> -> memref<26624xi32, #tpu.memory_space<vmem>>
    %dma_wait3A_281 = arith.constant 0 : i32
    %dma_wait3A_282 = tpu.memref_slice %arg2[%dma_wait3A_281] : memref<41600000xf32, #tpu.memory_space<hbm>> -> memref<41600000xf32, #tpu.memory_space<hbm>>
    tpu.wait_indirect_dma semaphore(%arg9 : memref<!tpu.dma_semaphore, #tpu.memory_space<semaphore_mem>>) src(%dma_wait3A_282 : memref<41600000xf32, #tpu.memory_space<hbm>>) dst(%dma_wait3A_277 : memref<26624xf32, #tpu.memory_space<vmem>>)
    %add3A_283 = arith.constant 106496 : i32
    %add3A_284 = arith.addi %mul3A_2, %add3A_283 : i32
    %dma_start3A_285 = arith.constant 0 : i32
    %dma_start3A_286 = arith.constant 0 : i32
    %dma_start3A_287 = tpu.memref_slice %arg6[%dma_start3A_285, %dma_start3A_286] : memref<2x26624xf32, #tpu.memory_space<vmem>> -> memref<1x26624xf32, #tpu.memory_space<vmem>>
    %dma_start3A_288 = tpu.memref_squeeze %dma_start3A_287 : memref<1x26624xf32, #tpu.memory_space<vmem>> -> memref<26624xf32, #tpu.memory_space<vmem>>
    %dma_start3A_289 = tpu.memref_slice %arg4[%add3A_284] : memref<6815744xf32, #tpu.memory_space<hbm>> -> memref<26624xf32, #tpu.memory_space<hbm>>
    %dma_start3A_290 = tpu.memref_slice %arg4[%add3A_284] : memref<6815744xf32, #tpu.memory_space<hbm>> -> memref<26624xf32, #tpu.memory_space<hbm>>
    %dma_start3A_291 = arith.constant 0 : i32
    %dma_start3A_292 = tpu.memref_slice %arg6[%dma_start3A_285, %dma_start3A_291] : memref<2x26624xf32, #tpu.memory_space<vmem>> -> memref<1x26624xf32, #tpu.memory_space<vmem>>
    %dma_start3A_293 = tpu.memref_squeeze %dma_start3A_292 : memref<1x26624xf32, #tpu.memory_space<vmem>> -> memref<26624xf32, #tpu.memory_space<vmem>>
    tpu.enqueue_dma source(%dma_start3A_293 : memref<26624xf32, #tpu.memory_space<vmem>>) target(%dma_start3A_290 : memref<26624xf32, #tpu.memory_space<hbm>>) target_semaphore(%arg10 : memref<!tpu.dma_semaphore, #tpu.memory_space<semaphore_mem>>)
    %dma_wait3A_294 = arith.constant 1 : i32
    %dma_wait3A_295 = arith.constant 0 : i32
    %dma_wait3A_296 = tpu.memref_slice %arg5[%dma_wait3A_294, %dma_wait3A_295] : memref<2x26624xi32, #tpu.memory_space<vmem>> -> memref<1x26624xi32, #tpu.memory_space<vmem>>
    %dma_wait3A_297 = tpu.memref_squeeze %dma_wait3A_296 : memref<1x26624xi32, #tpu.memory_space<vmem>> -> memref<26624xi32, #tpu.memory_space<vmem>>
    %dma_wait3A_298 = tpu.memref_slice %arg3[%add3A_244] : memref<6815744xi32, #tpu.memory_space<hbm>> -> memref<26624xi32, #tpu.memory_space<hbm>>
    %dma_wait3A_299 = arith.constant 0 : i32
    %dma_wait3A_300 = tpu.memref_slice %arg5[%dma_wait3A_294, %dma_wait3A_299] : memref<2x26624xi32, #tpu.memory_space<vmem>> -> memref<1x26624xi32, #tpu.memory_space<vmem>>
    %dma_wait3A_301 = tpu.memref_squeeze %dma_wait3A_300 : memref<1x26624xi32, #tpu.memory_space<vmem>> -> memref<26624xi32, #tpu.memory_space<vmem>>
    %dma_wait3A_302 = tpu.memref_slice %arg3[%add3A_244] : memref<6815744xi32, #tpu.memory_space<hbm>> -> memref<26624xi32, #tpu.memory_space<hbm>>
    tpu.wait_dma2 semaphore(%arg8 : memref<!tpu.dma_semaphore, #tpu.memory_space<semaphore_mem>>) src(%dma_wait3A_302 : memref<26624xi32, #tpu.memory_space<hbm>>) dst(%dma_wait3A_301 : memref<26624xi32, #tpu.memory_space<vmem>>)
    %add3A_303 = arith.constant 159744 : i32
    %add3A_304 = arith.addi %mul3A_2, %add3A_303 : i32
    %dma_start3A_305 = arith.constant 0 : i32
    %dma_start3A_306 = arith.constant 0 : i32
    %dma_start3A_307 = tpu.memref_slice %arg5[%dma_start3A_305, %dma_start3A_306] : memref<2x26624xi32, #tpu.memory_space<vmem>> -> memref<1x26624xi32, #tpu.memory_space<vmem>>
    %dma_start3A_308 = tpu.memref_squeeze %dma_start3A_307 : memref<1x26624xi32, #tpu.memory_space<vmem>> -> memref<26624xi32, #tpu.memory_space<vmem>>
    %dma_start3A_309 = tpu.memref_slice %arg3[%add3A_304] : memref<6815744xi32, #tpu.memory_space<hbm>> -> memref<26624xi32, #tpu.memory_space<hbm>>
    %dma_start3A_310 = arith.constant 0 : i32
    %dma_start3A_311 = tpu.memref_slice %arg5[%dma_start3A_305, %dma_start3A_310] : memref<2x26624xi32, #tpu.memory_space<vmem>> -> memref<1x26624xi32, #tpu.memory_space<vmem>>
    %dma_start3A_312 = tpu.memref_squeeze %dma_start3A_311 : memref<1x26624xi32, #tpu.memory_space<vmem>> -> memref<26624xi32, #tpu.memory_space<vmem>>
    %dma_start3A_313 = tpu.memref_slice %arg3[%add3A_304] : memref<6815744xi32, #tpu.memory_space<hbm>> -> memref<26624xi32, #tpu.memory_space<hbm>>
    tpu.enqueue_dma source(%dma_start3A_313 : memref<26624xi32, #tpu.memory_space<hbm>>) target(%dma_start3A_312 : memref<26624xi32, #tpu.memory_space<vmem>>) target_semaphore(%arg7 : memref<!tpu.dma_semaphore, #tpu.memory_space<semaphore_mem>>)
    %dma_wait3A_314 = arith.constant 1 : i32
    %dma_wait3A_315 = arith.constant 0 : i32
    %dma_wait3A_316 = tpu.memref_slice %arg6[%dma_wait3A_314, %dma_wait3A_315] : memref<2x26624xf32, #tpu.memory_space<vmem>> -> memref<1x26624xf32, #tpu.memory_space<vmem>>
    %dma_wait3A_317 = tpu.memref_squeeze %dma_wait3A_316 : memref<1x26624xf32, #tpu.memory_space<vmem>> -> memref<26624xf32, #tpu.memory_space<vmem>>
    %dma_wait3A_318 = tpu.memref_slice %arg4[%add3A_224] : memref<6815744xf32, #tpu.memory_space<hbm>> -> memref<26624xf32, #tpu.memory_space<hbm>>
    %dma_wait3A_319 = tpu.memref_slice %arg4[%add3A_224] : memref<6815744xf32, #tpu.memory_space<hbm>> -> memref<26624xf32, #tpu.memory_space<hbm>>
    %dma_wait3A_320 = arith.constant 0 : i32
    %dma_wait3A_321 = tpu.memref_slice %arg6[%dma_wait3A_314, %dma_wait3A_320] : memref<2x26624xf32, #tpu.memory_space<vmem>> -> memref<1x26624xf32, #tpu.memory_space<vmem>>
    %dma_wait3A_322 = tpu.memref_squeeze %dma_wait3A_321 : memref<1x26624xf32, #tpu.memory_space<vmem>> -> memref<26624xf32, #tpu.memory_space<vmem>>
    tpu.wait_dma2 semaphore(%arg11 : memref<!tpu.dma_semaphore, #tpu.memory_space<semaphore_mem>>) src(%dma_wait3A_322 : memref<26624xf32, #tpu.memory_space<vmem>>) dst(%dma_wait3A_319 : memref<26624xf32, #tpu.memory_space<hbm>>)
    %dma_start3A_323 = arith.constant 1 : i32
    %dma_start3A_324 = arith.constant 1 : i32
    %dma_start3A_325 = arith.constant 0 : i32
    %dma_start3A_326 = tpu.memref_slice %arg6[%dma_start3A_324, %dma_start3A_325] : memref<2x26624xf32, #tpu.memory_space<vmem>> -> memref<1x26624xf32, #tpu.memory_space<vmem>>
    %dma_start3A_327 = tpu.memref_squeeze %dma_start3A_326 : memref<1x26624xf32, #tpu.memory_space<vmem>> -> memref<26624xf32, #tpu.memory_space<vmem>>
    %dma_start3A_328 = arith.constant 0 : i32
    %dma_start3A_329 = tpu.memref_slice %arg5[%dma_start3A_323, %dma_start3A_328] : memref<2x26624xi32, #tpu.memory_space<vmem>> -> memref<1x26624xi32, #tpu.memory_space<vmem>>
    %dma_start3A_330 = tpu.memref_squeeze %dma_start3A_329 : memref<1x26624xi32, #tpu.memory_space<vmem>> -> memref<26624xi32, #tpu.memory_space<vmem>>
    %dma_start3A_331 = arith.constant 0 : i32
    %dma_start3A_332 = tpu.memref_slice %arg2[%dma_start3A_331] : memref<41600000xf32, #tpu.memory_space<hbm>> -> memref<41600000xf32, #tpu.memory_space<hbm>>
    tpu.enqueue_indirect_dma source(%dma_start3A_332 : memref<41600000xf32, #tpu.memory_space<hbm>>) target(%dma_start3A_327 : memref<26624xf32, #tpu.memory_space<vmem>>) offsets(%dma_start3A_330 : memref<26624xi32, #tpu.memory_space<vmem>>) semaphore(%arg9 : memref<!tpu.dma_semaphore, #tpu.memory_space<semaphore_mem>>)
    %dma_wait3A_333 = arith.constant 1 : i32
    %dma_wait3A_334 = arith.constant 1 : i32
    %dma_wait3A_335 = arith.constant 0 : i32
    %dma_wait3A_336 = tpu.memref_slice %arg6[%dma_wait3A_334, %dma_wait3A_335] : memref<2x26624xf32, #tpu.memory_space<vmem>> -> memref<1x26624xf32, #tpu.memory_space<vmem>>
    %dma_wait3A_337 = tpu.memref_squeeze %dma_wait3A_336 : memref<1x26624xf32, #tpu.memory_space<vmem>> -> memref<26624xf32, #tpu.memory_space<vmem>>
    %dma_wait3A_338 = arith.constant 0 : i32
    %dma_wait3A_339 = tpu.memref_slice %arg5[%dma_wait3A_333, %dma_wait3A_338] : memref<2x26624xi32, #tpu.memory_space<vmem>> -> memref<1x26624xi32, #tpu.memory_space<vmem>>
    %dma_wait3A_340 = tpu.memref_squeeze %dma_wait3A_339 : memref<1x26624xi32, #tpu.memory_space<vmem>> -> memref<26624xi32, #tpu.memory_space<vmem>>
    %dma_wait3A_341 = arith.constant 0 : i32
    %dma_wait3A_342 = tpu.memref_slice %arg2[%dma_wait3A_341] : memref<41600000xf32, #tpu.memory_space<hbm>> -> memref<41600000xf32, #tpu.memory_space<hbm>>
    tpu.wait_indirect_dma semaphore(%arg9 : memref<!tpu.dma_semaphore, #tpu.memory_space<semaphore_mem>>) src(%dma_wait3A_342 : memref<41600000xf32, #tpu.memory_space<hbm>>) dst(%dma_wait3A_337 : memref<26624xf32, #tpu.memory_space<vmem>>)
    %add3A_343 = arith.constant 133120 : i32
    %add3A_344 = arith.addi %mul3A_2, %add3A_343 : i32
    %dma_start3A_345 = arith.constant 1 : i32
    %dma_start3A_346 = arith.constant 0 : i32
    %dma_start3A_347 = tpu.memref_slice %arg6[%dma_start3A_345, %dma_start3A_346] : memref<2x26624xf32, #tpu.memory_space<vmem>> -> memref<1x26624xf32, #tpu.memory_space<vmem>>
    %dma_start3A_348 = tpu.memref_squeeze %dma_start3A_347 : memref<1x26624xf32, #tpu.memory_space<vmem>> -> memref<26624xf32, #tpu.memory_space<vmem>>
    %dma_start3A_349 = tpu.memref_slice %arg4[%add3A_344] : memref<6815744xf32, #tpu.memory_space<hbm>> -> memref<26624xf32, #tpu.memory_space<hbm>>
    %dma_start3A_350 = tpu.memref_slice %arg4[%add3A_344] : memref<6815744xf32, #tpu.memory_space<hbm>> -> memref<26624xf32, #tpu.memory_space<hbm>>
    %dma_start3A_351 = arith.constant 0 : i32
    %dma_start3A_352 = tpu.memref_slice %arg6[%dma_start3A_345, %dma_start3A_351] : memref<2x26624xf32, #tpu.memory_space<vmem>> -> memref<1x26624xf32, #tpu.memory_space<vmem>>
    %dma_start3A_353 = tpu.memref_squeeze %dma_start3A_352 : memref<1x26624xf32, #tpu.memory_space<vmem>> -> memref<26624xf32, #tpu.memory_space<vmem>>
    tpu.enqueue_dma source(%dma_start3A_353 : memref<26624xf32, #tpu.memory_space<vmem>>) target(%dma_start3A_350 : memref<26624xf32, #tpu.memory_space<hbm>>) target_semaphore(%arg11 : memref<!tpu.dma_semaphore, #tpu.memory_space<semaphore_mem>>)
    %dma_wait3A_354 = arith.constant 0 : i32
    %dma_wait3A_355 = arith.constant 0 : i32
    %dma_wait3A_356 = tpu.memref_slice %arg5[%dma_wait3A_354, %dma_wait3A_355] : memref<2x26624xi32, #tpu.memory_space<vmem>> -> memref<1x26624xi32, #tpu.memory_space<vmem>>
    %dma_wait3A_357 = tpu.memref_squeeze %dma_wait3A_356 : memref<1x26624xi32, #tpu.memory_space<vmem>> -> memref<26624xi32, #tpu.memory_space<vmem>>
    %dma_wait3A_358 = tpu.memref_slice %arg3[%add3A_304] : memref<6815744xi32, #tpu.memory_space<hbm>> -> memref<26624xi32, #tpu.memory_space<hbm>>
    %dma_wait3A_359 = arith.constant 0 : i32
    %dma_wait3A_360 = tpu.memref_slice %arg5[%dma_wait3A_354, %dma_wait3A_359] : memref<2x26624xi32, #tpu.memory_space<vmem>> -> memref<1x26624xi32, #tpu.memory_space<vmem>>
    %dma_wait3A_361 = tpu.memref_squeeze %dma_wait3A_360 : memref<1x26624xi32, #tpu.memory_space<vmem>> -> memref<26624xi32, #tpu.memory_space<vmem>>
    %dma_wait3A_362 = tpu.memref_slice %arg3[%add3A_304] : memref<6815744xi32, #tpu.memory_space<hbm>> -> memref<26624xi32, #tpu.memory_space<hbm>>
    tpu.wait_dma2 semaphore(%arg7 : memref<!tpu.dma_semaphore, #tpu.memory_space<semaphore_mem>>) src(%dma_wait3A_362 : memref<26624xi32, #tpu.memory_space<hbm>>) dst(%dma_wait3A_361 : memref<26624xi32, #tpu.memory_space<vmem>>)
    %add3A_363 = arith.constant 186368 : i32
    %add3A_364 = arith.addi %mul3A_2, %add3A_363 : i32
    %dma_start3A_365 = arith.constant 1 : i32
    %dma_start3A_366 = arith.constant 0 : i32
    %dma_start3A_367 = tpu.memref_slice %arg5[%dma_start3A_365, %dma_start3A_366] : memref<2x26624xi32, #tpu.memory_space<vmem>> -> memref<1x26624xi32, #tpu.memory_space<vmem>>
    %dma_start3A_368 = tpu.memref_squeeze %dma_start3A_367 : memref<1x26624xi32, #tpu.memory_space<vmem>> -> memref<26624xi32, #tpu.memory_space<vmem>>
    %dma_start3A_369 = tpu.memref_slice %arg3[%add3A_364] : memref<6815744xi32, #tpu.memory_space<hbm>> -> memref<26624xi32, #tpu.memory_space<hbm>>
    %dma_start3A_370 = arith.constant 0 : i32
    %dma_start3A_371 = tpu.memref_slice %arg5[%dma_start3A_365, %dma_start3A_370] : memref<2x26624xi32, #tpu.memory_space<vmem>> -> memref<1x26624xi32, #tpu.memory_space<vmem>>
    %dma_start3A_372 = tpu.memref_squeeze %dma_start3A_371 : memref<1x26624xi32, #tpu.memory_space<vmem>> -> memref<26624xi32, #tpu.memory_space<vmem>>
    %dma_start3A_373 = tpu.memref_slice %arg3[%add3A_364] : memref<6815744xi32, #tpu.memory_space<hbm>> -> memref<26624xi32, #tpu.memory_space<hbm>>
    tpu.enqueue_dma source(%dma_start3A_373 : memref<26624xi32, #tpu.memory_space<hbm>>) target(%dma_start3A_372 : memref<26624xi32, #tpu.memory_space<vmem>>) target_semaphore(%arg8 : memref<!tpu.dma_semaphore, #tpu.memory_space<semaphore_mem>>)
    %dma_wait3A_374 = arith.constant 0 : i32
    %dma_wait3A_375 = arith.constant 0 : i32
    %dma_wait3A_376 = tpu.memref_slice %arg6[%dma_wait3A_374, %dma_wait3A_375] : memref<2x26624xf32, #tpu.memory_space<vmem>> -> memref<1x26624xf32, #tpu.memory_space<vmem>>
    %dma_wait3A_377 = tpu.memref_squeeze %dma_wait3A_376 : memref<1x26624xf32, #tpu.memory_space<vmem>> -> memref<26624xf32, #tpu.memory_space<vmem>>
    %dma_wait3A_378 = tpu.memref_slice %arg4[%add3A_284] : memref<6815744xf32, #tpu.memory_space<hbm>> -> memref<26624xf32, #tpu.memory_space<hbm>>
    %dma_wait3A_379 = tpu.memref_slice %arg4[%add3A_284] : memref<6815744xf32, #tpu.memory_space<hbm>> -> memref<26624xf32, #tpu.memory_space<hbm>>
    %dma_wait3A_380 = arith.constant 0 : i32
    %dma_wait3A_381 = tpu.memref_slice %arg6[%dma_wait3A_374, %dma_wait3A_380] : memref<2x26624xf32, #tpu.memory_space<vmem>> -> memref<1x26624xf32, #tpu.memory_space<vmem>>
    %dma_wait3A_382 = tpu.memref_squeeze %dma_wait3A_381 : memref<1x26624xf32, #tpu.memory_space<vmem>> -> memref<26624xf32, #tpu.memory_space<vmem>>
    tpu.wait_dma2 semaphore(%arg10 : memref<!tpu.dma_semaphore, #tpu.memory_space<semaphore_mem>>) src(%dma_wait3A_382 : memref<26624xf32, #tpu.memory_space<vmem>>) dst(%dma_wait3A_379 : memref<26624xf32, #tpu.memory_space<hbm>>)
    %dma_start3A_383 = arith.constant 0 : i32
    %dma_start3A_384 = arith.constant 0 : i32
    %dma_start3A_385 = arith.constant 0 : i32
    %dma_start3A_386 = tpu.memref_slice %arg6[%dma_start3A_384, %dma_start3A_385] : memref<2x26624xf32, #tpu.memory_space<vmem>> -> memref<1x26624xf32, #tpu.memory_space<vmem>>
    %dma_start3A_387 = tpu.memref_squeeze %dma_start3A_386 : memref<1x26624xf32, #tpu.memory_space<vmem>> -> memref<26624xf32, #tpu.memory_space<vmem>>
    %dma_start3A_388 = arith.constant 0 : i32
    %dma_start3A_389 = tpu.memref_slice %arg5[%dma_start3A_383, %dma_start3A_388] : memref<2x26624xi32, #tpu.memory_space<vmem>> -> memref<1x26624xi32, #tpu.memory_space<vmem>>
    %dma_start3A_390 = tpu.memref_squeeze %dma_start3A_389 : memref<1x26624xi32, #tpu.memory_space<vmem>> -> memref<26624xi32, #tpu.memory_space<vmem>>
    %dma_start3A_391 = arith.constant 0 : i32
    %dma_start3A_392 = tpu.memref_slice %arg2[%dma_start3A_391] : memref<41600000xf32, #tpu.memory_space<hbm>> -> memref<41600000xf32, #tpu.memory_space<hbm>>
    tpu.enqueue_indirect_dma source(%dma_start3A_392 : memref<41600000xf32, #tpu.memory_space<hbm>>) target(%dma_start3A_387 : memref<26624xf32, #tpu.memory_space<vmem>>) offsets(%dma_start3A_390 : memref<26624xi32, #tpu.memory_space<vmem>>) semaphore(%arg9 : memref<!tpu.dma_semaphore, #tpu.memory_space<semaphore_mem>>)
    %dma_wait3A_393 = arith.constant 0 : i32
    %dma_wait3A_394 = arith.constant 0 : i32
    %dma_wait3A_395 = arith.constant 0 : i32
    %dma_wait3A_396 = tpu.memref_slice %arg6[%dma_wait3A_394, %dma_wait3A_395] : memref<2x26624xf32, #tpu.memory_space<vmem>> -> memref<1x26624xf32, #tpu.memory_space<vmem>>
    %dma_wait3A_397 = tpu.memref_squeeze %dma_wait3A_396 : memref<1x26624xf32, #tpu.memory_space<vmem>> -> memref<26624xf32, #tpu.memory_space<vmem>>
    %dma_wait3A_398 = arith.constant 0 : i32
    %dma_wait3A_399 = tpu.memref_slice %arg5[%dma_wait3A_393, %dma_wait3A_398] : memref<2x26624xi32, #tpu.memory_space<vmem>> -> memref<1x26624xi32, #tpu.memory_space<vmem>>
    %dma_wait3A_400 = tpu.memref_squeeze %dma_wait3A_399 : memref<1x26624xi32, #tpu.memory_space<vmem>> -> memref<26624xi32, #tpu.memory_space<vmem>>
    %dma_wait3A_401 = arith.constant 0 : i32
    %dma_wait3A_402 = tpu.memref_slice %arg2[%dma_wait3A_401] : memref<41600000xf32, #tpu.memory_space<hbm>> -> memref<41600000xf32, #tpu.memory_space<hbm>>
    tpu.wait_indirect_dma semaphore(%arg9 : memref<!tpu.dma_semaphore, #tpu.memory_space<semaphore_mem>>) src(%dma_wait3A_402 : memref<41600000xf32, #tpu.memory_space<hbm>>) dst(%dma_wait3A_397 : memref<26624xf32, #tpu.memory_space<vmem>>)
    %add3A_403 = arith.constant 159744 : i32
    %add3A_404 = arith.addi %mul3A_2, %add3A_403 : i32
    %dma_start3A_405 = arith.constant 0 : i32
    %dma_start3A_406 = arith.constant 0 : i32
    %dma_start3A_407 = tpu.memref_slice %arg6[%dma_start3A_405, %dma_start3A_406] : memref<2x26624xf32, #tpu.memory_space<vmem>> -> memref<1x26624xf32, #tpu.memory_space<vmem>>
    %dma_start3A_408 = tpu.memref_squeeze %dma_start3A_407 : memref<1x26624xf32, #tpu.memory_space<vmem>> -> memref<26624xf32, #tpu.memory_space<vmem>>
    %dma_start3A_409 = tpu.memref_slice %arg4[%add3A_404] : memref<6815744xf32, #tpu.memory_space<hbm>> -> memref<26624xf32, #tpu.memory_space<hbm>>
    %dma_start3A_410 = tpu.memref_slice %arg4[%add3A_404] : memref<6815744xf32, #tpu.memory_space<hbm>> -> memref<26624xf32, #tpu.memory_space<hbm>>
    %dma_start3A_411 = arith.constant 0 : i32
    %dma_start3A_412 = tpu.memref_slice %arg6[%dma_start3A_405, %dma_start3A_411] : memref<2x26624xf32, #tpu.memory_space<vmem>> -> memref<1x26624xf32, #tpu.memory_space<vmem>>
    %dma_start3A_413 = tpu.memref_squeeze %dma_start3A_412 : memref<1x26624xf32, #tpu.memory_space<vmem>> -> memref<26624xf32, #tpu.memory_space<vmem>>
    tpu.enqueue_dma source(%dma_start3A_413 : memref<26624xf32, #tpu.memory_space<vmem>>) target(%dma_start3A_410 : memref<26624xf32, #tpu.memory_space<hbm>>) target_semaphore(%arg10 : memref<!tpu.dma_semaphore, #tpu.memory_space<semaphore_mem>>)
    %dma_wait3A_414 = arith.constant 1 : i32
    %dma_wait3A_415 = arith.constant 0 : i32
    %dma_wait3A_416 = tpu.memref_slice %arg5[%dma_wait3A_414, %dma_wait3A_415] : memref<2x26624xi32, #tpu.memory_space<vmem>> -> memref<1x26624xi32, #tpu.memory_space<vmem>>
    %dma_wait3A_417 = tpu.memref_squeeze %dma_wait3A_416 : memref<1x26624xi32, #tpu.memory_space<vmem>> -> memref<26624xi32, #tpu.memory_space<vmem>>
    %dma_wait3A_418 = tpu.memref_slice %arg3[%add3A_364] : memref<6815744xi32, #tpu.memory_space<hbm>> -> memref<26624xi32, #tpu.memory_space<hbm>>
    %dma_wait3A_419 = arith.constant 0 : i32
    %dma_wait3A_420 = tpu.memref_slice %arg5[%dma_wait3A_414, %dma_wait3A_419] : memref<2x26624xi32, #tpu.memory_space<vmem>> -> memref<1x26624xi32, #tpu.memory_space<vmem>>
    %dma_wait3A_421 = tpu.memref_squeeze %dma_wait3A_420 : memref<1x26624xi32, #tpu.memory_space<vmem>> -> memref<26624xi32, #tpu.memory_space<vmem>>
    %dma_wait3A_422 = tpu.memref_slice %arg3[%add3A_364] : memref<6815744xi32, #tpu.memory_space<hbm>> -> memref<26624xi32, #tpu.memory_space<hbm>>
    tpu.wait_dma2 semaphore(%arg8 : memref<!tpu.dma_semaphore, #tpu.memory_space<semaphore_mem>>) src(%dma_wait3A_422 : memref<26624xi32, #tpu.memory_space<hbm>>) dst(%dma_wait3A_421 : memref<26624xi32, #tpu.memory_space<vmem>>)
    %dma_wait3A_423 = arith.constant 1 : i32
    %dma_wait3A_424 = arith.constant 0 : i32
    %dma_wait3A_425 = tpu.memref_slice %arg6[%dma_wait3A_423, %dma_wait3A_424] : memref<2x26624xf32, #tpu.memory_space<vmem>> -> memref<1x26624xf32, #tpu.memory_space<vmem>>
    %dma_wait3A_426 = tpu.memref_squeeze %dma_wait3A_425 : memref<1x26624xf32, #tpu.memory_space<vmem>> -> memref<26624xf32, #tpu.memory_space<vmem>>
    %dma_wait3A_427 = tpu.memref_slice %arg4[%add3A_344] : memref<6815744xf32, #tpu.memory_space<hbm>> -> memref<26624xf32, #tpu.memory_space<hbm>>
    %dma_wait3A_428 = tpu.memref_slice %arg4[%add3A_344] : memref<6815744xf32, #tpu.memory_space<hbm>> -> memref<26624xf32, #tpu.memory_space<hbm>>
    %dma_wait3A_429 = arith.constant 0 : i32
    %dma_wait3A_430 = tpu.memref_slice %arg6[%dma_wait3A_423, %dma_wait3A_429] : memref<2x26624xf32, #tpu.memory_space<vmem>> -> memref<1x26624xf32, #tpu.memory_space<vmem>>
    %dma_wait3A_431 = tpu.memref_squeeze %dma_wait3A_430 : memref<1x26624xf32, #tpu.memory_space<vmem>> -> memref<26624xf32, #tpu.memory_space<vmem>>
    tpu.wait_dma2 semaphore(%arg11 : memref<!tpu.dma_semaphore, #tpu.memory_space<semaphore_mem>>) src(%dma_wait3A_431 : memref<26624xf32, #tpu.memory_space<vmem>>) dst(%dma_wait3A_428 : memref<26624xf32, #tpu.memory_space<hbm>>)
    %dma_start3A_432 = arith.constant 1 : i32
    %dma_start3A_433 = arith.constant 1 : i32
    %dma_start3A_434 = arith.constant 0 : i32
    %dma_start3A_435 = tpu.memref_slice %arg6[%dma_start3A_433, %dma_start3A_434] : memref<2x26624xf32, #tpu.memory_space<vmem>> -> memref<1x26624xf32, #tpu.memory_space<vmem>>
    %dma_start3A_436 = tpu.memref_squeeze %dma_start3A_435 : memref<1x26624xf32, #tpu.memory_space<vmem>> -> memref<26624xf32, #tpu.memory_space<vmem>>
    %dma_start3A_437 = arith.constant 0 : i32
    %dma_start3A_438 = tpu.memref_slice %arg5[%dma_start3A_432, %dma_start3A_437] : memref<2x26624xi32, #tpu.memory_space<vmem>> -> memref<1x26624xi32, #tpu.memory_space<vmem>>
    %dma_start3A_439 = tpu.memref_squeeze %dma_start3A_438 : memref<1x26624xi32, #tpu.memory_space<vmem>> -> memref<26624xi32, #tpu.memory_space<vmem>>
    %dma_start3A_440 = arith.constant 0 : i32
    %dma_start3A_441 = tpu.memref_slice %arg2[%dma_start3A_440] : memref<41600000xf32, #tpu.memory_space<hbm>> -> memref<41600000xf32, #tpu.memory_space<hbm>>
    tpu.enqueue_indirect_dma source(%dma_start3A_441 : memref<41600000xf32, #tpu.memory_space<hbm>>) target(%dma_start3A_436 : memref<26624xf32, #tpu.memory_space<vmem>>) offsets(%dma_start3A_439 : memref<26624xi32, #tpu.memory_space<vmem>>) semaphore(%arg9 : memref<!tpu.dma_semaphore, #tpu.memory_space<semaphore_mem>>)
    %dma_wait3A_442 = arith.constant 1 : i32
    %dma_wait3A_443 = arith.constant 1 : i32
    %dma_wait3A_444 = arith.constant 0 : i32
    %dma_wait3A_445 = tpu.memref_slice %arg6[%dma_wait3A_443, %dma_wait3A_444] : memref<2x26624xf32, #tpu.memory_space<vmem>> -> memref<1x26624xf32, #tpu.memory_space<vmem>>
    %dma_wait3A_446 = tpu.memref_squeeze %dma_wait3A_445 : memref<1x26624xf32, #tpu.memory_space<vmem>> -> memref<26624xf32, #tpu.memory_space<vmem>>
    %dma_wait3A_447 = arith.constant 0 : i32
    %dma_wait3A_448 = tpu.memref_slice %arg5[%dma_wait3A_442, %dma_wait3A_447] : memref<2x26624xi32, #tpu.memory_space<vmem>> -> memref<1x26624xi32, #tpu.memory_space<vmem>>
    %dma_wait3A_449 = tpu.memref_squeeze %dma_wait3A_448 : memref<1x26624xi32, #tpu.memory_space<vmem>> -> memref<26624xi32, #tpu.memory_space<vmem>>
    %dma_wait3A_450 = arith.constant 0 : i32
    %dma_wait3A_451 = tpu.memref_slice %arg2[%dma_wait3A_450] : memref<41600000xf32, #tpu.memory_space<hbm>> -> memref<41600000xf32, #tpu.memory_space<hbm>>
    tpu.wait_indirect_dma semaphore(%arg9 : memref<!tpu.dma_semaphore, #tpu.memory_space<semaphore_mem>>) src(%dma_wait3A_451 : memref<41600000xf32, #tpu.memory_space<hbm>>) dst(%dma_wait3A_446 : memref<26624xf32, #tpu.memory_space<vmem>>)
    %add3A_452 = arith.constant 186368 : i32
    %add3A_453 = arith.addi %mul3A_2, %add3A_452 : i32
    %dma_start3A_454 = arith.constant 1 : i32
    %dma_start3A_455 = arith.constant 0 : i32
    %dma_start3A_456 = tpu.memref_slice %arg6[%dma_start3A_454, %dma_start3A_455] : memref<2x26624xf32, #tpu.memory_space<vmem>> -> memref<1x26624xf32, #tpu.memory_space<vmem>>
    %dma_start3A_457 = tpu.memref_squeeze %dma_start3A_456 : memref<1x26624xf32, #tpu.memory_space<vmem>> -> memref<26624xf32, #tpu.memory_space<vmem>>
    %dma_start3A_458 = tpu.memref_slice %arg4[%add3A_453] : memref<6815744xf32, #tpu.memory_space<hbm>> -> memref<26624xf32, #tpu.memory_space<hbm>>
    %dma_start3A_459 = tpu.memref_slice %arg4[%add3A_453] : memref<6815744xf32, #tpu.memory_space<hbm>> -> memref<26624xf32, #tpu.memory_space<hbm>>
    %dma_start3A_460 = arith.constant 0 : i32
    %dma_start3A_461 = tpu.memref_slice %arg6[%dma_start3A_454, %dma_start3A_460] : memref<2x26624xf32, #tpu.memory_space<vmem>> -> memref<1x26624xf32, #tpu.memory_space<vmem>>
    %dma_start3A_462 = tpu.memref_squeeze %dma_start3A_461 : memref<1x26624xf32, #tpu.memory_space<vmem>> -> memref<26624xf32, #tpu.memory_space<vmem>>
    tpu.enqueue_dma source(%dma_start3A_462 : memref<26624xf32, #tpu.memory_space<vmem>>) target(%dma_start3A_459 : memref<26624xf32, #tpu.memory_space<hbm>>) target_semaphore(%arg11 : memref<!tpu.dma_semaphore, #tpu.memory_space<semaphore_mem>>)
    %dma_wait3A_463 = arith.constant 0 : i32
    %dma_wait3A_464 = arith.constant 0 : i32
    %dma_wait3A_465 = tpu.memref_slice %arg6[%dma_wait3A_463, %dma_wait3A_464] : memref<2x26624xf32, #tpu.memory_space<vmem>> -> memref<1x26624xf32, #tpu.memory_space<vmem>>
    %dma_wait3A_466 = tpu.memref_squeeze %dma_wait3A_465 : memref<1x26624xf32, #tpu.memory_space<vmem>> -> memref<26624xf32, #tpu.memory_space<vmem>>
    %dma_wait3A_467 = tpu.memref_slice %arg4[%add3A_404] : memref<6815744xf32, #tpu.memory_space<hbm>> -> memref<26624xf32, #tpu.memory_space<hbm>>
    %dma_wait3A_468 = tpu.memref_slice %arg4[%add3A_404] : memref<6815744xf32, #tpu.memory_space<hbm>> -> memref<26624xf32, #tpu.memory_space<hbm>>
    %dma_wait3A_469 = arith.constant 0 : i32
    %dma_wait3A_470 = tpu.memref_slice %arg6[%dma_wait3A_463, %dma_wait3A_469] : memref<2x26624xf32, #tpu.memory_space<vmem>> -> memref<1x26624xf32, #tpu.memory_space<vmem>>
    %dma_wait3A_471 = tpu.memref_squeeze %dma_wait3A_470 : memref<1x26624xf32, #tpu.memory_space<vmem>> -> memref<26624xf32, #tpu.memory_space<vmem>>
    tpu.wait_dma2 semaphore(%arg10 : memref<!tpu.dma_semaphore, #tpu.memory_space<semaphore_mem>>) src(%dma_wait3A_471 : memref<26624xf32, #tpu.memory_space<vmem>>) dst(%dma_wait3A_468 : memref<26624xf32, #tpu.memory_space<hbm>>)
    %dma_wait3A_472 = arith.constant 1 : i32
    %dma_wait3A_473 = arith.constant 0 : i32
    %dma_wait3A_474 = tpu.memref_slice %arg6[%dma_wait3A_472, %dma_wait3A_473] : memref<2x26624xf32, #tpu.memory_space<vmem>> -> memref<1x26624xf32, #tpu.memory_space<vmem>>
    %dma_wait3A_475 = tpu.memref_squeeze %dma_wait3A_474 : memref<1x26624xf32, #tpu.memory_space<vmem>> -> memref<26624xf32, #tpu.memory_space<vmem>>
    %dma_wait3A_476 = tpu.memref_slice %arg4[%add3A_453] : memref<6815744xf32, #tpu.memory_space<hbm>> -> memref<26624xf32, #tpu.memory_space<hbm>>
    %dma_wait3A_477 = tpu.memref_slice %arg4[%add3A_453] : memref<6815744xf32, #tpu.memory_space<hbm>> -> memref<26624xf32, #tpu.memory_space<hbm>>
    %dma_wait3A_478 = arith.constant 0 : i32
    %dma_wait3A_479 = tpu.memref_slice %arg6[%dma_wait3A_472, %dma_wait3A_478] : memref<2x26624xf32, #tpu.memory_space<vmem>> -> memref<1x26624xf32, #tpu.memory_space<vmem>>
    %dma_wait3A_480 = tpu.memref_squeeze %dma_wait3A_479 : memref<1x26624xf32, #tpu.memory_space<vmem>> -> memref<26624xf32, #tpu.memory_space<vmem>>
    tpu.wait_dma2 semaphore(%arg11 : memref<!tpu.dma_semaphore, #tpu.memory_space<semaphore_mem>>) src(%dma_wait3A_480 : memref<26624xf32, #tpu.memory_space<vmem>>) dst(%dma_wait3A_477 : memref<26624xf32, #tpu.memory_space<hbm>>)
    return
  }
}

module attributes {stable_mosaic.version = 14 : i64} {
  func.func @_mlp_body(%arg0: i32, %arg1: memref<2048x416xf32, #tpu.memory_space<vmem>>, %arg2: memref<2048x13xf32, #tpu.memory_space<vmem>>, %arg3: memref<416x256xf32, #tpu.memory_space<vmem>>, %arg4: memref<13x256xf32, #tpu.memory_space<vmem>>, %arg5: memref<1x256xf32, #tpu.memory_space<vmem>>, %arg6: memref<256x128xf32, #tpu.memory_space<vmem>>, %arg7: memref<1x128xf32, #tpu.memory_space<vmem>>, %arg8: memref<128x64xf32, #tpu.memory_space<vmem>>, %arg9: memref<1x64xf32, #tpu.memory_space<vmem>>, %arg10: memref<13x1xf32, #tpu.memory_space<vmem>>, %arg11: memref<1x1xf32, #tpu.memory_space<vmem>>, %arg12: memref<64x1xf32, #tpu.memory_space<vmem>>, %arg13: memref<1x1xf32, #tpu.memory_space<vmem>>, %arg14: memref<2048x1xf32, #tpu.memory_space<vmem>>) attributes {dimension_semantics = [#tpu.dimension_semantics<arbitrary>], iteration_bounds = array<i64: 8>, scalar_prefetch = 0 : i64, scratch_operands = 0 : i64, tpu.core_type = #tpu.core_type<tc>, window_params = [{transform_indices = @transform_0, window_bounds = array<i64: 2048, 416>}, {transform_indices = @transform_1, window_bounds = array<i64: 2048, 13>}, {pipeline_mode = #tpu.pipeline_mode<synchronous>, transform_indices = @transform_2, window_bounds = array<i64: 416, 256>}, {pipeline_mode = #tpu.pipeline_mode<synchronous>, transform_indices = @transform_3, window_bounds = array<i64: 13, 256>}, {pipeline_mode = #tpu.pipeline_mode<synchronous>, transform_indices = @transform_4, window_bounds = array<i64: 1, 256>}, {pipeline_mode = #tpu.pipeline_mode<synchronous>, transform_indices = @transform_5, window_bounds = array<i64: 256, 128>}, {pipeline_mode = #tpu.pipeline_mode<synchronous>, transform_indices = @transform_6, window_bounds = array<i64: 1, 128>}, {pipeline_mode = #tpu.pipeline_mode<synchronous>, transform_indices = @transform_7, window_bounds = array<i64: 128, 64>}, {pipeline_mode = #tpu.pipeline_mode<synchronous>, transform_indices = @transform_8, window_bounds = array<i64: 1, 64>}, {pipeline_mode = #tpu.pipeline_mode<synchronous>, transform_indices = @transform_9, window_bounds = array<i64: 13, 1>}, {pipeline_mode = #tpu.pipeline_mode<synchronous>, transform_indices = @transform_10, window_bounds = array<i64: 1, 1>}, {pipeline_mode = #tpu.pipeline_mode<synchronous>, transform_indices = @transform_11, window_bounds = array<i64: 64, 1>}, {pipeline_mode = #tpu.pipeline_mode<synchronous>, transform_indices = @transform_12, window_bounds = array<i64: 1, 1>}, {transform_indices = @transform_13, window_bounds = array<i64: 2048, 1>}]} {
    %get3A = arith.constant 0 : index
    %get3A_0 = arith.constant 0 : index
    %get3A_1 = vector.load %arg1[%get3A, %get3A_0] : memref<2048x416xf32, #tpu.memory_space<vmem>>, vector<2048x416xf32>
    %get3A_2 = arith.constant 0 : index
    %get3A_3 = arith.constant 0 : index
    %get3A_4 = vector.load %arg2[%get3A_2, %get3A_3] : memref<2048x13xf32, #tpu.memory_space<vmem>>, vector<2048x13xf32>
    %get3A_5 = arith.constant 0 : index
    %get3A_6 = arith.constant 0 : index
    %get3A_7 = vector.load %arg3[%get3A_5, %get3A_6] : memref<416x256xf32, #tpu.memory_space<vmem>>, vector<416x256xf32>
    %dot_general3A = arith.constant dense<0.000000e+00> : vector<2048x256xf32>
    %dot_general3A_8 = tpu.matmul %get3A_1, %get3A_7, %dot_general3A {dimension_numbers = #tpu.dot_dimension_numbers<[1], [0], [0], [1], [0, 0, 1, 1], [], []>, transpose_lhs_hint = false} : vector<2048x416xf32>, vector<416x256xf32>, vector<2048x256xf32> -> vector<2048x256xf32>
    %get3A_9 = arith.constant 0 : index
    %get3A_10 = arith.constant 0 : index
    %get3A_11 = vector.load %arg4[%get3A_9, %get3A_10] : memref<13x256xf32, #tpu.memory_space<vmem>>, vector<13x256xf32>
    %dot_general3A_12 = arith.constant dense<0.000000e+00> : vector<2048x256xf32>
    %dot_general3A_13 = tpu.matmul %get3A_4, %get3A_11, %dot_general3A_12 {dimension_numbers = #tpu.dot_dimension_numbers<[1], [0], [0], [1], [0, 0, 1, 1], [], []>, transpose_lhs_hint = false} : vector<2048x13xf32>, vector<13x256xf32>, vector<2048x256xf32> -> vector<2048x256xf32>
    %add3A = arith.addf %dot_general3A_8, %dot_general3A_13 : vector<2048x256xf32>
    %get3A_14 = arith.constant 0 : index
    %get3A_15 = arith.constant 0 : index
    %get3A_16 = vector.load %arg5[%get3A_14, %get3A_15] : memref<1x256xf32, #tpu.memory_space<vmem>>, vector<1x256xf32>
    %add3A_17 = vector.broadcast %get3A_16 : vector<1x256xf32> to vector<2048x256xf32>
    %add3A_18 = arith.addf %add3A, %add3A_17 : vector<2048x256xf32>
    %max3A = arith.constant 0.000000e+00 : f32
    %max3A_19 = vector.broadcast %max3A : f32 to vector<2048x256xf32>
    %max3A_20 = arith.maximumf %add3A_18, %max3A_19 : vector<2048x256xf32>
    %get3A_21 = arith.constant 0 : index
    %get3A_22 = arith.constant 0 : index
    %get3A_23 = vector.load %arg6[%get3A_21, %get3A_22] : memref<256x128xf32, #tpu.memory_space<vmem>>, vector<256x128xf32>
    %dot_general3A_24 = arith.constant dense<0.000000e+00> : vector<2048x128xf32>
    %dot_general3A_25 = tpu.matmul %max3A_20, %get3A_23, %dot_general3A_24 {dimension_numbers = #tpu.dot_dimension_numbers<[1], [0], [0], [1], [0, 0, 1, 1], [], []>, transpose_lhs_hint = false} : vector<2048x256xf32>, vector<256x128xf32>, vector<2048x128xf32> -> vector<2048x128xf32>
    %get3A_26 = arith.constant 0 : index
    %get3A_27 = arith.constant 0 : index
    %get3A_28 = vector.load %arg7[%get3A_26, %get3A_27] : memref<1x128xf32, #tpu.memory_space<vmem>>, vector<1x128xf32>
    %add3A_29 = vector.broadcast %get3A_28 : vector<1x128xf32> to vector<2048x128xf32>
    %add3A_30 = arith.addf %dot_general3A_25, %add3A_29 : vector<2048x128xf32>
    %max3A_31 = arith.constant 0.000000e+00 : f32
    %max3A_32 = vector.broadcast %max3A_31 : f32 to vector<2048x128xf32>
    %max3A_33 = arith.maximumf %add3A_30, %max3A_32 : vector<2048x128xf32>
    %get3A_34 = arith.constant 0 : index
    %get3A_35 = arith.constant 0 : index
    %get3A_36 = vector.load %arg8[%get3A_34, %get3A_35] : memref<128x64xf32, #tpu.memory_space<vmem>>, vector<128x64xf32>
    %dot_general3A_37 = arith.constant dense<0.000000e+00> : vector<2048x64xf32>
    %dot_general3A_38 = tpu.matmul %max3A_33, %get3A_36, %dot_general3A_37 {dimension_numbers = #tpu.dot_dimension_numbers<[1], [0], [0], [1], [0, 0, 1, 1], [], []>, transpose_lhs_hint = false} : vector<2048x128xf32>, vector<128x64xf32>, vector<2048x64xf32> -> vector<2048x64xf32>
    %get3A_39 = arith.constant 0 : index
    %get3A_40 = arith.constant 0 : index
    %get3A_41 = vector.load %arg9[%get3A_39, %get3A_40] : memref<1x64xf32, #tpu.memory_space<vmem>>, vector<1x64xf32>
    %add3A_42 = vector.broadcast %get3A_41 : vector<1x64xf32> to vector<2048x64xf32>
    %add3A_43 = arith.addf %dot_general3A_38, %add3A_42 : vector<2048x64xf32>
    %max3A_44 = arith.constant 0.000000e+00 : f32
    %max3A_45 = vector.broadcast %max3A_44 : f32 to vector<2048x64xf32>
    %max3A_46 = arith.maximumf %add3A_43, %max3A_45 : vector<2048x64xf32>
    %get3A_47 = arith.constant 0 : index
    %get3A_48 = arith.constant 0 : index
    %get3A_49 = vector.load %arg12[%get3A_47, %get3A_48] : memref<64x1xf32, #tpu.memory_space<vmem>>, vector<64x1xf32>
    %dot_general3A_50 = arith.constant dense<0.000000e+00> : vector<2048x1xf32>
    %dot_general3A_51 = tpu.matmul %max3A_46, %get3A_49, %dot_general3A_50 {dimension_numbers = #tpu.dot_dimension_numbers<[1], [0], [0], [1], [0, 0, 1, 1], [], []>, transpose_lhs_hint = false} : vector<2048x64xf32>, vector<64x1xf32>, vector<2048x1xf32> -> vector<2048x1xf32>
    %get3A_52 = arith.constant 0 : index
    %get3A_53 = arith.constant 0 : index
    %get3A_54 = vector.load %arg13[%get3A_52, %get3A_53] : memref<1x1xf32, #tpu.memory_space<vmem>>, vector<1x1xf32>
    %add3A_55 = vector.broadcast %get3A_54 : vector<1x1xf32> to vector<2048x1xf32>
    %add3A_56 = arith.addf %dot_general3A_51, %add3A_55 : vector<2048x1xf32>
    %get3A_57 = arith.constant 0 : index
    %get3A_58 = arith.constant 0 : index
    %get3A_59 = vector.load %arg10[%get3A_57, %get3A_58] : memref<13x1xf32, #tpu.memory_space<vmem>>, vector<13x1xf32>
    %dot_general3A_60 = arith.constant dense<0.000000e+00> : vector<2048x1xf32>
    %dot_general3A_61 = tpu.matmul %get3A_4, %get3A_59, %dot_general3A_60 {dimension_numbers = #tpu.dot_dimension_numbers<[1], [0], [0], [1], [0, 0, 1, 1], [], []>, transpose_lhs_hint = false} : vector<2048x13xf32>, vector<13x1xf32>, vector<2048x1xf32> -> vector<2048x1xf32>
    %get3A_62 = arith.constant 0 : index
    %get3A_63 = arith.constant 0 : index
    %get3A_64 = vector.load %arg11[%get3A_62, %get3A_63] : memref<1x1xf32, #tpu.memory_space<vmem>>, vector<1x1xf32>
    %add3A_65 = vector.broadcast %get3A_64 : vector<1x1xf32> to vector<2048x1xf32>
    %add3A_66 = arith.addf %dot_general3A_61, %add3A_65 : vector<2048x1xf32>
    %mul3A = arith.constant 5.000000e-01 : f32
    %mul3A_67 = vector.broadcast %mul3A : f32 to vector<2048x1xf32>
    %mul3A_68 = arith.mulf %mul3A_67, %add3A_66 : vector<2048x1xf32>
    %mul3A_69 = arith.constant 5.000000e-01 : f32
    %mul3A_70 = vector.broadcast %mul3A_69 : f32 to vector<2048x1xf32>
    %mul3A_71 = arith.mulf %mul3A_70, %add3A_56 : vector<2048x1xf32>
    %add3A_72 = arith.addf %mul3A_68, %mul3A_71 : vector<2048x1xf32>
    %logistic3A = arith.negf %add3A_72 : vector<2048x1xf32>
    %logistic3A_73 = math.exp %logistic3A : vector<2048x1xf32>
    %logistic3A_74 = arith.constant 1.000000e+00 : f32
    %logistic3A_75 = vector.broadcast %logistic3A_74 : f32 to vector<2048x1xf32>
    %logistic3A_76 = arith.addf %logistic3A_75, %logistic3A_73 : vector<2048x1xf32>
    %logistic3A_77 = arith.divf %logistic3A_75, %logistic3A_76 : vector<2048x1xf32>
    %swap3A = arith.constant 0 : index
    %swap3A_78 = arith.constant 0 : index
    %swap3A_79 = vector.load %arg14[%swap3A, %swap3A_78] : memref<2048x1xf32, #tpu.memory_space<vmem>>, vector<2048x1xf32>
    tpu.vector_store %arg14[%swap3A, %swap3A_78], %logistic3A_77 {strides = array<i32>} : memref<2048x1xf32, #tpu.memory_space<vmem>>, vector<2048x1xf32>,
    return
  }
  func.func @transform_0(%arg0: i32) -> (i32, i32) {
    %c0_i32 = arith.constant 0 : i32
    %c0_i32_0 = arith.constant 0 : i32
    return %arg0, %c0_i32 : i32, i32
  }
  func.func @transform_1(%arg0: i32) -> (i32, i32) {
    %c0_i32 = arith.constant 0 : i32
    %c0_i32_0 = arith.constant 0 : i32
    return %arg0, %c0_i32 : i32, i32
  }
  func.func @transform_2(%arg0: i32) -> (i32, i32) {
    %c0_i32 = arith.constant 0 : i32
    %c0_i32_0 = arith.constant 0 : i32
    %c0_i32_1 = arith.constant 0 : i32
    return %c0_i32, %c0_i32_0 : i32, i32
  }
  func.func @transform_3(%arg0: i32) -> (i32, i32) {
    %c0_i32 = arith.constant 0 : i32
    %c0_i32_0 = arith.constant 0 : i32
    %c0_i32_1 = arith.constant 0 : i32
    return %c0_i32, %c0_i32_0 : i32, i32
  }
  func.func @transform_4(%arg0: i32) -> (i32, i32) {
    %c0_i32 = arith.constant 0 : i32
    %c0_i32_0 = arith.constant 0 : i32
    %c0_i32_1 = arith.constant 0 : i32
    return %c0_i32, %c0_i32_0 : i32, i32
  }
  func.func @transform_5(%arg0: i32) -> (i32, i32) {
    %c0_i32 = arith.constant 0 : i32
    %c0_i32_0 = arith.constant 0 : i32
    %c0_i32_1 = arith.constant 0 : i32
    return %c0_i32, %c0_i32_0 : i32, i32
  }
  func.func @transform_6(%arg0: i32) -> (i32, i32) {
    %c0_i32 = arith.constant 0 : i32
    %c0_i32_0 = arith.constant 0 : i32
    %c0_i32_1 = arith.constant 0 : i32
    return %c0_i32, %c0_i32_0 : i32, i32
  }
  func.func @transform_7(%arg0: i32) -> (i32, i32) {
    %c0_i32 = arith.constant 0 : i32
    %c0_i32_0 = arith.constant 0 : i32
    %c0_i32_1 = arith.constant 0 : i32
    return %c0_i32, %c0_i32_0 : i32, i32
  }
  func.func @transform_8(%arg0: i32) -> (i32, i32) {
    %c0_i32 = arith.constant 0 : i32
    %c0_i32_0 = arith.constant 0 : i32
    %c0_i32_1 = arith.constant 0 : i32
    return %c0_i32, %c0_i32_0 : i32, i32
  }
  func.func @transform_9(%arg0: i32) -> (i32, i32) {
    %c0_i32 = arith.constant 0 : i32
    %c0_i32_0 = arith.constant 0 : i32
    %c0_i32_1 = arith.constant 0 : i32
    return %c0_i32, %c0_i32_0 : i32, i32
  }
  func.func @transform_10(%arg0: i32) -> (i32, i32) {
    %c0_i32 = arith.constant 0 : i32
    %c0_i32_0 = arith.constant 0 : i32
    %c0_i32_1 = arith.constant 0 : i32
    return %c0_i32, %c0_i32_0 : i32, i32
  }
  func.func @transform_11(%arg0: i32) -> (i32, i32) {
    %c0_i32 = arith.constant 0 : i32
    %c0_i32_0 = arith.constant 0 : i32
    %c0_i32_1 = arith.constant 0 : i32
    return %c0_i32, %c0_i32_0 : i32, i32
  }
  func.func @transform_12(%arg0: i32) -> (i32, i32) {
    %c0_i32 = arith.constant 0 : i32
    %c0_i32_0 = arith.constant 0 : i32
    %c0_i32_1 = arith.constant 0 : i32
    return %c0_i32, %c0_i32_0 : i32, i32
  }
  func.func @transform_13(%arg0: i32) -> (i32, i32) {
    %c0_i32 = arith.constant 0 : i32
    %c0_i32_0 = arith.constant 0 : i32
    return %arg0, %c0_i32 : i32, i32
  }
}

</mosaic_0001>

<sc_bundles>
// kernel: kernel.4.cloned.1.call-start
scs
__scs_entry_jumppad:
0x0: {  	(pc) =	sbr.rel $0x88, $3  }
0x1: {  	(tag) =	ssettag $0x0;
	lr =	simm.s32 $0x1  }
0x2: {  	[smem:$0x3F94] =	sst lr;
	_ =	strace $0xD0000000  }
0x3: {  	_ = 	snop  }
0x4: {  	_ = 	snop  }
0x5: {  	_ = 	snop  }
0x6: {  	_ = 	snop  }
0x7: {  	_ = 	snop  }
__scs_overlays_trampoline_lowered:
0x8: {  	[smem:$0x3FA3] =	sst s0  }
0x9: {  	[smem:$0x3FA4] =	sst s1  }
0xa: {  	[smem:$0x3FA5] =	sst s2  }
0xb: {  	[smem:$0x3FA6] =	sst s3  }
0xc: {  	[smem:$0x3FA7] =	sst s4  }
0xd: {  	[smem:$0x3FA8] =	sst s5  }
0xe: {  	[smem:$0x3FA9] =	sst s6  }
0xf: {  	[smem:$0x3FAA] =	sst s7  }
0x10: {  	[smem:$0x3FAB] =	sst s8  }
0x11: {  	[smem:$0x3FAC] =	sst s9;
	s0 =	simm.s32 @!p0 $0x0  }
0x12: {  	s1 =	sld [smem:$0x3F92];
	s0 =	simm.s32 @p0 $0x1  }
0x13: {  	[smem:$0x3FAD] =	sst s0;
	s0 =	simm.s32 @!p1 $0x0  }
0x14: {  	s2 =	sld [smem:$0x3F91];
	s0 =	simm.s32 @p1 $0x1  }
0x15: {  	[smem:$0x3FAE] =	sst s0;
	s0 =	simm.s32 @!p2 $0x0  }
0x16: {  	s3 =	sld [smem:$0x3FDB];
	s0 =	simm.s32 @p2 $0x1  }
0x17: {  	s4 =	simm.s32 $0x1BF5;
	[smem:$0x3FB0] =	sst s0  }
0x18: {  	s0 =	sld [smem:$0x3F93];
	_ =	swait.ge [sflag:s4], $0x0  }
0x19: {  	s7 =	sld [smem:$0x3F94]  }
0x1a: {  	s8 =	sadd.s32 $0xFFFFE003, lr  }
0x1b: {  	s9 =	sadd.s32 $0xFFFFFEF7, lr;
	s5 =	simm.s32 $0xFFFFFFFF;
	p2 =	slt.u32 s8, $0xFFFFF086  }
0x1c: {  	p1 =	slt.u32 s9, $0xF7A;
	s5 =	simm.s32 @!p2 $0x0  }
0x1d: {  	s5 =	simm.s32 @p1 $0x1;
	p0 =	seq.s32 s7, s2  }
0x1e: {  	s7 =	smul.u32 @!p0 $0xF7A, s2;
	p2 =	seq.s32 @!p0 s5, $0x0  }
0x1f: {  	s9 =	smul.u32 $0xF7A, s1;
	s8 =	simm.s32 @!p0 $0x1BF5;
	p2 =	por !p2, p0  }
0x20: {  	[sflag:s8] =	ssyncset.s32 @!p0 $0xFFFFF086;
	s6 =	sadd.s32 @!p0 s3, s7;
	s7 =	simm.s32 @!p0 $0x108  }
0x21: {  	s3 =	sadd.s32 s3, s9;
	s6 =	sadd.s32 @!p0 $0x88, s6;
	s7 =	simm.s32 @p2 $0x1082  }
0x22: {  	[simem:s7], [sflag:s8] =	dma.local @!p0 [hbm:s6], $0xF7A  }
0x23: {  	s9 =	sor.u32 $0xD0000000, s2;
	s6 =	simm.s32 $0x108;
	_ =	swait.ge @!p0 [sflag:s8], $0x0  }
0x24: {  	s3 =	sadd.s32 $0x88, s3;
	s6 =	simm.s32 @!p1 $0x1082;
	[sflag:s4] =	ssyncset.s32 $0xFFFFF086  }
0x25: {  	[simem:s6], [sflag:s4] =	dma.local [hbm:s3], $0xF7A  }
0x26: {  	[smem:$0x3F94] =	sst s1;
	(tag) =	ssettag s2;
	_ =	strace s9  }
0x27: {  	s1 =	sld [smem:$0x3FA4]  }
0x28: {  	s2 =	sld [smem:$0x3FA5]  }
0x29: {  	s4 =	sld [smem:$0x3FA7]  }
0x2a: {  	p0 =	seq.s32 s5, $0x0;
	s5 =	sld [smem:$0x3FA8]  }
0x2b: {  	s6 =	sld [smem:$0x3FA9]  }
0x2c: {  	s7 =	sld [smem:$0x3FAA]  }
0x2d: {  	s3 =	simm.s32 $0x108;
	s8 =	sld [smem:$0x3FAB]  }
0x2e: {  	s3 =	simm.s32 @!p0 $0x1082;
	s9 =	sld [smem:$0x3FAC]  }
0x2f: {  	lr =	sadd.s32 s0, s3;
	s0 =	sld [smem:$0x3FA3]  }
0x30: {  	s3 =	sld [smem:$0x3FA6]  }
0x31: {  	[smem:$0x3FAF] =	sst s10  }
0x32: {  	s10 =	sld [smem:$0x3FAD];
	_ =	sdelay $0x3  }
0x33: {  	p0 =	seq.s32 s10, $0x1;
	s10 =	sld [smem:$0x3FAF];
	_ =	sdelay $0x3  }
0x34: {  	[smem:$0x3FAF] =	sst s10  }
0x35: {  	s10 =	sld [smem:$0x3FAE];
	_ =	sdelay $0x3  }
0x36: {  	p1 =	seq.s32 s10, $0x1;
	s10 =	sld [smem:$0x3FAF];
	_ =	sdelay $0x3  }
0x37: {  	[smem:$0x3FAF] =	sst s10  }
0x38: {  	s10 =	sld [smem:$0x3FB0]  }
0x39: {  	_ = 	snop;
	(pc) =	sbr.ind lr, $3  }
0x3a: {  	_ = 	snop  }
0x3b: {  	_ = 	snop  }
0x3c: {  	p2 =	seq.s32 s10, $0x1;
	s10 =	sld [smem:$0x3FAF]  }
0x3d: {  	_ =	shalt  }
0x3e: {  	_ =	shalt  }
0x3f: {  	_ =	shalt  }
0x40: {  	_ =	shalt  }
0x41: {  	_ =	shalt  }
0x42: {  	_ =	shalt  }
0x43: {  	_ =	shalt  }
0x44: {  	_ =	shalt  }
0x45: {  	_ =	shalt  }
0x46: {  	_ =	shalt  }
0x47: {  	_ =	shalt  }
0x48: {  	_ =	shalt  }
0x49: {  	_ =	shalt  }
0x4a: {  	_ =	shalt  }
0x4b: {  	_ =	shalt  }
0x4c: {  	_ =	shalt  }
0x4d: {  	_ =	shalt  }
0x4e: {  	_ =	shalt  }
0x4f: {  	_ =	shalt  }
0x50: {  	_ =	shalt  }
0x51: {  	_ =	shalt  }
0x52: {  	_ =	shalt  }
0x53: {  	_ =	shalt  }
0x54: {  	_ =	shalt  }
0x55: {  	_ =	shalt  }
0x56: {  	_ =	shalt  }
0x57: {  	_ =	shalt  }
0x58: {  	_ =	shalt  }
0x59: {  	_ =	shalt  }
0x5a: {  	_ =	shalt  }
0x5b: {  	_ =	shalt  }
0x5c: {  	_ =	shalt  }
0x5d: {  	_ =	shalt  }
0x5e: {  	_ =	shalt  }
0x5f: {  	_ =	shalt  }
0x60: {  	_ =	shalt  }
0x61: {  	_ =	shalt  }
0x62: {  	_ =	shalt  }
0x63: {  	_ =	shalt  }
0x64: {  	_ =	shalt  }
0x65: {  	_ =	shalt  }
0x66: {  	_ =	shalt  }
0x67: {  	_ =	shalt  }
0x68: {  	_ =	shalt  }
0x69: {  	_ =	shalt  }
0x6a: {  	_ =	shalt  }
0x6b: {  	_ =	shalt  }
0x6c: {  	_ =	shalt  }
0x6d: {  	_ =	shalt  }
0x6e: {  	_ =	shalt  }
0x6f: {  	_ =	shalt  }
0x70: {  	_ =	shalt  }
0x71: {  	_ =	shalt  }
0x72: {  	_ =	shalt  }
0x73: {  	_ =	shalt  }
0x74: {  	_ =	shalt  }
0x75: {  	_ =	shalt  }
0x76: {  	_ =	shalt  }
0x77: {  	_ =	shalt  }
0x78: {  	_ =	shalt  }
0x79: {  	_ =	shalt  }
0x7a: {  	_ =	shalt  }
0x7b: {  	_ =	shalt  }
0x7c: {  	_ =	shalt  }
0x7d: {  	_ =	shalt  }
0x7e: {  	_ =	shalt  }
0x7f: {  	_ =	shalt  }
0x80: {  	_ =	shalt  }
0x81: {  	_ =	shalt  }
0x82: {  	_ =	shalt  }
0x83: {  	_ =	shalt  }
0x84: {  	_ =	shalt  }
0x85: {  	_ =	shalt  }
0x86: {  	_ =	shalt  }
0x87: {  	_ =	shalt  }
.Lfunc_end0:
.L_simem_size_0:
called_computation_lowered:
.L_overlay_start_0:
0x88: {  	s2 =	sld [smem:$0x3FD9]  }
0x89: {  	s3 =	sld [smem:$0x3FFE];
	_ =	sdelay $0x1  }
0x8a: {  	s1 =	srdreg.scid  }
0x8b: {  	s0 =	sand.u32 $0x1, s1  }
0x8c: {  	s16 =	sshll.u32 s0, $0xA;
	s2 =	sadd.s32 s3, s2  }
0x8d: {  	s2 =	sadd.s32 s2, s16  }
0x8e: {  	[smem:$0x3FBB] =	sst s2  }
0x8f: {  	_ = 	snop  }
0x90: {  	(tm) =	ssettm $0x1  }
0x91: {  	s17 =	sld [smem:$0x3FFB];
	_ =	sdelay $0x3  }
0x92: {  	_ =	strace s17  }
0x93: {  	s2 =	sld [smem:$0x3FFC];
	_ =	sdelay $0x3  }
0x94: {  	_ =	strace s2  }
0x95: {  	s2 =	sld [smem:$0x3FFD];
	_ =	sdelay $0x3  }
0x96: {  	_ =	strace s2  }
0x97: {  	_ =	strace $0x8FFFFFFF  }
0x98: {  	s18 =	sld [smem:$0x3FDB];
	_ =	sdelay $0x1  }
0x99: {  	s19 =	simm.s32 $_scs_section_size  }
0x9a: {  	s4 =	simm.s32 $_size__tile_overlayer_lowered;
	s5 =	simm.s32 $_tile_overlayer_lowered  }
0x9b: {  	s22 =	simm.s32 $0x1BFF;
	s21 =	sshll.u32 s5, $0x1;
	s2 =	sadd.s32 s19, s18  }
0x9c: {  	s6 =	simm.s32 $0x0;
	s20 =	sshll.u32 s4, $0x1;
	s4 =	sadd.s32 s21, s2  }
0x9d: {  	[timem:s6], [sflag:s22] =	dma.local [hbm:s4], s20  }
0x9e: {  	_ =	swait.ge [sflag:s22], s20  }
0x9f: {  	s3 =	ssub.s32 $0x0, s20;
	[sflag:s22] =	ssyncset.done $0x0  }
0xa0: {  	[sflag:s22] =	ssyncadd.s32 s3;
	_ =	sdelay $0x1  }
0xa1: {  	s23 =	simm.s32 $0x1B8B  }
0xa2: {  	_ =	swait.ge [sflag:s23], $0x1  }
0xa3: {  	[sflag:s23] =	ssyncset.done $0x0  }
0xa4: {  	s25 =	simm.s32 $0x1B8E;
	s24 =	sld [smem:$0x3FFE];
	[sflag:s23] =	ssyncadd.s32 $0xFFFFFFFF  }
0xa5: {  	s26 =	simm.s32 $execute0_lowered;
	[smem:$0x3FD2] =	sst s25  }
0xa6: {  	s4 =	sshll.u32 s26, $0x1;
	_ =	strace $0x80000046;
	[dreg:$0x1] =	wrdreg $0xFFFFFFFF  }
0xa7: {  	s28 =	simm.s32 $_size_execute0_lowered;
	s2 =	sadd.s32 s2, s4;
	[dreg:$0x0] =	wrdreg $0x0  }
0xa8: {  	s4 =	sshll.u32 s28, $0x1;
	[dreg:$0x2] =	wrdreg s2  }
0xa9: {  	[dreg:$0x3] =	wrdreg s4  }
0xaa: {  	[dreg:$0x4] =	wrdreg $0xC0  }
0xab: {  	_ =	task [dreg:s6], $0x5FFFF  }
0xac: {  	[dreg:$0x1] =	wrdreg $0xFFFFFFFF  }
0xad: {  	[dreg:$0x0] =	wrdreg $0x60  }
0xae: {  	[dreg:$0x2] =	wrdreg s24  }
0xaf: {  	[dreg:$0x3] =	wrdreg $0x9  }
0xb0: {  	_ =	task.clear_ibuf [dreg:s6], $0x4FFFF;
	_ =	strace $0x90000046  }
0xb1: {  	s29 =	simm.s32 $0x9;
	_ =	strace $0x80000048  }
0xb2: {  	_ =	swait.ge [sflag:s29], $0x1  }
0xb3: {  	[sflag:s29] =	ssyncadd.s32 $0xFFFFFFFF  }
0xb4: {  	_ =	strace $0x90000048  }
0xb5: {  	_ =	sfence  }
0xb6: {  	s30 =	sld [smem:$0x0];
	_ =	sdelay $0x2  }
0xb7: {  	s31 =	sshll.u32 s1, $0xD;
	s1 =	sshrl.u32 s1, $0x2  }
0xb8: {  	s3 =	sand.u32 $0x4000, s31;
	s1 =	sadd.s32 s1, s30  }
0xb9: {  	s0 =	sor.u32 s3, s0;
	s1 =	sshll.u32 s1, $0x11  }
0xba: {  	s0 =	sor.u32 s1, s0  }
0xbb: {  	s0 =	sadd.s32 $0x8F2B, s0  }
0xbc: {  	[sflag:s0] =	ssyncadd.remote.s32 $0x1  }
0xbd: {  	_ =	sfence.sel $0xFFFF  }
0xbe: {  	[dreg:$0x0] =	wrdreg $0xFFFFFFFF;
	(pc) =	sbr.abs _section_cstart, $3  }
0xbf: {  	[dreg:$0x1] =	wrdreg $0xFFFFFFFF  }
0xc0: {  	_ =	task.clear_ibuf [dreg:s6], $0x2FFFF;
	_ =	strace $0x9FFFFFFF  }
0xc1: {  	(tm) =	ssettm $0x7FFFFFFF  }
tec
execute0_lowered:
.L_overlay_start_1:
0x0: {  	(tag) =	ssettag $0x1  }
0x1: {  	s1 =	srdreg.scid;
	s0 =	stileid.u32  }
0x2: {  	s29 =	sand.u32 $0x1, s1;
	s30 =	sshll.u32 s0, $0x1  }
0x3: {  	s1 =	sor.u32 s29, s30  }
0x4: {  	s3 =	smul.u32 $0x34000, s1  }
0x5: {  	s10 =	rddreg [dreg:$0x0];
	s2 =	simm.s32 $0x0;
	s4 =	simm.s32 $0x1  }
0x6: {  	[smem:$0x7FF] =	sst s2;
	s25 =	sadd.s32 $0x1800, s10;
	s26 =	sshrl.u32 s3, $0x3  }
0x7: {  	s1 =	rddreg [dreg:$0x1];
	_ =	strace $0x80000047;
	s3 =	sadd.s32 s25, s26  }
0x8: {  	[tilespmem:s2], [sflag:$0x1] =	stream.linear.gather [hbm4b:s3+s2], $0x6800, $0x38;
	[tilespmem:$0x1A000] =	vst v63  }
0x9: {  	_ =	swait.ge [sflag:s4], $0x6800  }
0xa: {  	s14 =	sadd.s32 $0xD00, s26;
	[sflag:s4] =	ssyncset.done $0x0  }
0xb: {  	s6 =	simm.s32 $0x6800;
	s5 =	sadd.s32 s25, s14;
	[sflag:s4] =	ssyncadd.s32 $0xFFFF9800  }
0xc: {  	[tilespmem:s6], [sflag:$0x2] =	stream.linear.gather [hbm4b:s5+s2], $0x6800, $0x38;
	[tilespmem:$0x1A000] =	vst v63  }
0xd: {  	s8 =	simm.s32 $0xD000;
	s9 =	simm.s32 $0x3;
	s7 =	sadd.s32 $0xD1800, s10  }
0xe: {  	[tilespmem:s8], [sflag:$0x3] =	stream.indirect.gather [hbm4b:s7+s6], $0x1, s2, s6, $0xb8;
	[tilespmem:$0x1A000] =	vst v63  }
0xf: {  	_ =	swait.ge [sflag:s9], $0x6800  }
0x10: {  	s28 =	sadd.s32 $0x5C7200, s10;
	[sflag:s9] =	ssyncset.done $0x0  }
0x11: {  	s11 =	simm.s32 $0x2;
	s10 =	sadd.s32 s28, s26;
	[sflag:s9] =	ssyncadd.s32 $0xFFFF9800  }
0x12: {  	[hbm4b:s10+s2] =	stream.linear.scatter [tilespmem:s8], [sflag:$0x4], $0x6800, $0x38;
	[tilespmem:$0x1A000] =	vst v63  }
0x13: {  	_ =	swait.ge [sflag:s11], $0x6800  }
0x14: {  	s17 =	sadd.s32 $0x1A00, s26;
	[sflag:s11] =	ssyncset.done $0x0  }
0x15: {  	s12 =	sadd.s32 s25, s17;
	[sflag:s11] =	ssyncadd.s32 $0xFFFF9800  }
0x16: {  	[tilespmem:s2], [sflag:$0x1] =	stream.linear.gather [hbm4b:s12+s2], $0x6800, $0x38;
	[tilespmem:$0x1A000] =	vst v63  }
0x17: {  	s13 =	simm.s32 $0x13800  }
0x18: {  	[tilespmem:s13], [sflag:$0x3] =	stream.indirect.gather [hbm4b:s7+s6], $0x1, s6, s6, $0xb8;
	[tilespmem:$0x1A000] =	vst v63  }
0x19: {  	_ =	swait.ge [sflag:s9], $0x6800  }
0x1a: {  	[sflag:s9] =	ssyncset.done $0x0  }
0x1b: {  	s14 =	sadd.s32 s28, s14;
	[sflag:s9] =	ssyncadd.s32 $0xFFFF9800  }
0x1c: {  	[hbm4b:s14+s2] =	stream.linear.scatter [tilespmem:s13], [sflag:$0x5], $0x6800, $0x38;
	[tilespmem:$0x1A000] =	vst v63  }
0x1d: {  	_ =	swait.ge [sflag:s4], $0x6800  }
0x1e: {  	s20 =	sadd.s32 $0x2700, s26;
	[sflag:s4] =	ssyncset.done $0x0  }
0x1f: {  	s16 =	simm.s32 $0x4;
	s15 =	sadd.s32 s25, s20;
	[sflag:s4] =	ssyncadd.s32 $0xFFFF9800  }
0x20: {  	[tilespmem:s6], [sflag:$0x2] =	stream.linear.gather [hbm4b:s15+s2], $0x6800, $0x38;
	[tilespmem:$0x1A000] =	vst v63  }
0x21: {  	_ =	swait.ge [sflag:s16], $0x6800  }
0x22: {  	[sflag:s16] =	ssyncset.done $0x0  }
0x23: {  	[sflag:s16] =	ssyncadd.s32 $0xFFFF9800  }
0x24: {  	[tilespmem:s8], [sflag:$0x3] =	stream.indirect.gather [hbm4b:s7+s6], $0x1, s2, s6, $0xb8;
	[tilespmem:$0x1A000] =	vst v63  }
0x25: {  	_ =	swait.ge [sflag:s9], $0x6800  }
0x26: {  	[sflag:s9] =	ssyncset.done $0x0  }
0x27: {  	s17 =	sadd.s32 s28, s17;
	[sflag:s9] =	ssyncadd.s32 $0xFFFF9800  }
0x28: {  	[hbm4b:s17+s2] =	stream.linear.scatter [tilespmem:s8], [sflag:$0x4], $0x6800, $0x38;
	[tilespmem:$0x1A000] =	vst v63  }
0x29: {  	_ =	swait.ge [sflag:s11], $0x6800  }
0x2a: {  	s22 =	sadd.s32 $0x3400, s26;
	[sflag:s11] =	ssyncset.done $0x0  }
0x2b: {  	s18 =	simm.s32 $0x5;
	s19 =	sadd.s32 s25, s22;
	[sflag:s11] =	ssyncadd.s32 $0xFFFF9800  }
0x2c: {  	[tilespmem:s2], [sflag:$0x1] =	stream.linear.gather [hbm4b:s19+s2], $0x6800, $0x38;
	[tilespmem:$0x1A000] =	vst v63  }
0x2d: {  	_ =	swait.ge [sflag:s18], $0x6800  }
0x2e: {  	[sflag:s18] =	ssyncset.done $0x0  }
0x2f: {  	[sflag:s18] =	ssyncadd.s32 $0xFFFF9800  }
0x30: {  	[tilespmem:s13], [sflag:$0x3] =	stream.indirect.gather [hbm4b:s7+s6], $0x1, s6, s6, $0xb8;
	[tilespmem:$0x1A000] =	vst v63  }
0x31: {  	_ =	swait.ge [sflag:s9], $0x6800  }
0x32: {  	[sflag:s9] =	ssyncset.done $0x0  }
0x33: {  	s20 =	sadd.s32 s28, s20;
	[sflag:s9] =	ssyncadd.s32 $0xFFFF9800  }
0x34: {  	[hbm4b:s20+s2] =	stream.linear.scatter [tilespmem:s13], [sflag:$0x5], $0x6800, $0x38;
	[tilespmem:$0x1A000] =	vst v63  }
0x35: {  	_ =	swait.ge [sflag:s4], $0x6800  }
0x36: {  	s24 =	sadd.s32 $0x4100, s26;
	[sflag:s4] =	ssyncset.done $0x0  }
0x37: {  	s21 =	sadd.s32 s25, s24;
	[sflag:s4] =	ssyncadd.s32 $0xFFFF9800  }
0x38: {  	[tilespmem:s6], [sflag:$0x2] =	stream.linear.gather [hbm4b:s21+s2], $0x6800, $0x38;
	[tilespmem:$0x1A000] =	vst v63  }
0x39: {  	_ =	swait.ge [sflag:s16], $0x6800  }
0x3a: {  	[sflag:s16] =	ssyncset.done $0x0  }
0x3b: {  	[sflag:s16] =	ssyncadd.s32 $0xFFFF9800  }
0x3c: {  	[tilespmem:s8], [sflag:$0x3] =	stream.indirect.gather [hbm4b:s7+s6], $0x1, s2, s6, $0xb8;
	[tilespmem:$0x1A000] =	vst v63  }
0x3d: {  	_ =	swait.ge [sflag:s9], $0x6800  }
0x3e: {  	[sflag:s9] =	ssyncset.done $0x0  }
0x3f: {  	s22 =	sadd.s32 s28, s22;
	[sflag:s9] =	ssyncadd.s32 $0xFFFF9800  }
0x40: {  	[hbm4b:s22+s2] =	stream.linear.scatter [tilespmem:s8], [sflag:$0x4], $0x6800, $0x38;
	[tilespmem:$0x1A000] =	vst v63  }
0x41: {  	_ =	swait.ge [sflag:s11], $0x6800  }
0x42: {  	s30 =	sadd.s32 $0x4E00, s26;
	[sflag:s11] =	ssyncset.done $0x0  }
0x43: {  	s23 =	sadd.s32 s25, s30;
	[sflag:s11] =	ssyncadd.s32 $0xFFFF9800  }
0x44: {  	[tilespmem:s2], [sflag:$0x1] =	stream.linear.gather [hbm4b:s23+s2], $0x6800, $0x38;
	[tilespmem:$0x1A000] =	vst v63  }
0x45: {  	_ =	swait.ge [sflag:s18], $0x6800  }
0x46: {  	[sflag:s18] =	ssyncset.done $0x0  }
0x47: {  	[sflag:s18] =	ssyncadd.s32 $0xFFFF9800  }
0x48: {  	[tilespmem:s13], [sflag:$0x3] =	stream.indirect.gather [hbm4b:s7+s6], $0x1, s6, s6, $0xb8;
	[tilespmem:$0x1A000] =	vst v63  }
0x49: {  	_ =	swait.ge [sflag:s9], $0x6800  }
0x4a: {  	[sflag:s9] =	ssyncset.done $0x0  }
0x4b: {  	s24 =	sadd.s32 s28, s24;
	[sflag:s9] =	ssyncadd.s32 $0xFFFF9800  }
0x4c: {  	[hbm4b:s24+s2] =	stream.linear.scatter [tilespmem:s13], [sflag:$0x5], $0x6800, $0x38;
	[tilespmem:$0x1A000] =	vst v63  }
0x4d: {  	_ =	swait.ge [sflag:s4], $0x6800  }
0x4e: {  	s31 =	sadd.s32 $0x5B00, s26;
	[sflag:s4] =	ssyncset.done $0x0  }
0x4f: {  	s25 =	sadd.s32 s25, s31;
	[sflag:s4] =	ssyncadd.s32 $0xFFFF9800  }
0x50: {  	[tilespmem:s6], [sflag:$0x2] =	stream.linear.gather [hbm4b:s25+s2], $0x6800, $0x38;
	[tilespmem:$0x1A000] =	vst v63  }
0x51: {  	_ =	swait.ge [sflag:s16], $0x6800  }
0x52: {  	[sflag:s16] =	ssyncset.done $0x0  }
0x53: {  	[sflag:s16] =	ssyncadd.s32 $0xFFFF9800  }
0x54: {  	[tilespmem:s8], [sflag:$0x3] =	stream.indirect.gather [hbm4b:s7+s6], $0x1, s2, s6, $0xb8;
	[tilespmem:$0x1A000] =	vst v63  }
0x55: {  	_ =	swait.ge [sflag:s9], $0x6800  }
0x56: {  	[sflag:s9] =	ssyncset.done $0x0  }
0x57: {  	s26 =	sadd.s32 s28, s30;
	[sflag:s9] =	ssyncadd.s32 $0xFFFF9800  }
0x58: {  	[hbm4b:s26+s2] =	stream.linear.scatter [tilespmem:s8], [sflag:$0x4], $0x6800, $0x38;
	[tilespmem:$0x1A000] =	vst v63  }
0x59: {  	_ =	swait.ge [sflag:s11], $0x6800  }
0x5a: {  	[sflag:s11] =	ssyncset.done $0x0  }
0x5b: {  	[sflag:s11] =	ssyncadd.s32 $0xFFFF9800  }
0x5c: {  	_ =	swait.ge [sflag:s18], $0x6800  }
0x5d: {  	s29 =	ssub.s32 $0x2, s29;
	[sflag:s18] =	ssyncset.done $0x0  }
0x5e: {  	s28 =	sadd.s32 s28, s31;
	s31 =	sshrl.u32 s29, $0x1;
	[sflag:s18] =	ssyncadd.s32 $0xFFFF9800  }
0x5f: {  	[tilespmem:s13], [sflag:$0x3] =	stream.indirect.gather [hbm4b:s7+s6], $0x1, s6, s6, $0xb8;
	[tilespmem:$0x1A000] =	vst v63  }
0x60: {  	s29 =	ssub.s32 s29, s31;
	_ =	swait.ge [sflag:s9], $0x6800  }
0x61: {  	s29 =	smax.u32 s29, $0x1;
	[sflag:s9] =	ssyncset.done $0x0  }
0x62: {  	p0 =	sne.s32 s29, $0x1;
	[sflag:s9] =	ssyncadd.s32 $0xFFFF9800  }
0x63: {  	[hbm4b:s28+s2] =	stream.linear.scatter [tilespmem:s13], [sflag:$0x5], $0x6800, $0x38;
	[tilespmem:$0x1A000] =	vst v63  }
.Ltmp0:
0x64: {  	_ =	swait.ge [sflag:s16], $0x6800;
	(pc) =	sbr.rel @!p0 .LBB2_2-.Ltmp0, $4  }
0x65: {  	[sflag:s16] =	ssyncset.done $0x0  }
0x66: {  	[sflag:s16] =	ssyncadd.s32 $0xFFFF9800  }
0x67: {  	_ =	swait.ge [sflag:s18], $0x6800  }
0x68: {  	s29 =	sadd.s32 $0xFFFFFFFF, s29;
	[sflag:s18] =	ssyncset.done $0x0  }
.LBB2_1:
0x69: {  	p0 =	sne.s32 s29, $0x1;
	s29 =	sadd.s32 $0xFFFFFFFF, s29;
	[sflag:s18] =	ssyncadd.s32 $0xFFFF9800  }
0x6a: {  	[tilespmem:s2], [sflag:$0x1] =	stream.linear.gather [hbm4b:s3+s2], $0x6800, $0x38;
	[tilespmem:$0x1A000] =	vst v63  }
0x6b: {  	_ =	swait.ge [sflag:s4], $0x6800  }
0x6c: {  	[sflag:s4] =	ssyncset.done $0x0  }
0x6d: {  	[sflag:s4] =	ssyncadd.s32 $0xFFFF9800  }
0x6e: {  	[tilespmem:s6], [sflag:$0x2] =	stream.linear.gather [hbm4b:s5+s2], $0x6800, $0x38;
	[tilespmem:$0x1A000] =	vst v63  }
0x6f: {  	_ = 	snop  }
0x70: {  	[tilespmem:s8], [sflag:$0x3] =	stream.indirect.gather [hbm4b:s7+s6], $0x1, s2, s6, $0xb8;
	[tilespmem:$0x1A000] =	vst v63  }
0x71: {  	_ =	swait.ge [sflag:s9], $0x6800  }
0x72: {  	[sflag:s9] =	ssyncset.done $0x0  }
0x73: {  	[sflag:s9] =	ssyncadd.s32 $0xFFFF9800  }
0x74: {  	[hbm4b:s10+s2] =	stream.linear.scatter [tilespmem:s8], [sflag:$0x4], $0x6800, $0x38;
	[tilespmem:$0x1A000] =	vst v63  }
0x75: {  	_ =	swait.ge [sflag:s11], $0x6800  }
0x76: {  	[sflag:s11] =	ssyncset.done $0x0  }
0x77: {  	[sflag:s11] =	ssyncadd.s32 $0xFFFF9800  }
0x78: {  	[tilespmem:s2], [sflag:$0x1] =	stream.linear.gather [hbm4b:s12+s2], $0x6800, $0x38;
	[tilespmem:$0x1A000] =	vst v63  }
0x79: {  	_ = 	snop  }
0x7a: {  	[tilespmem:s13], [sflag:$0x3] =	stream.indirect.gather [hbm4b:s7+s6], $0x1, s6, s6, $0xb8;
	[tilespmem:$0x1A000] =	vst v63  }
0x7b: {  	_ =	swait.ge [sflag:s9], $0x6800  }
0x7c: {  	[sflag:s9] =	ssyncset.done $0x0  }
0x7d: {  	[sflag:s9] =	ssyncadd.s32 $0xFFFF9800  }
0x7e: {  	[hbm4b:s14+s2] =	stream.linear.scatter [tilespmem:s13], [sflag:$0x5], $0x6800, $0x38;
	[tilespmem:$0x1A000] =	vst v63  }
0x7f: {  	_ =	swait.ge [sflag:s4], $0x6800  }
0x80: {  	[sflag:s4] =	ssyncset.done $0x0  }
0x81: {  	[sflag:s4] =	ssyncadd.s32 $0xFFFF9800  }
0x82: {  	[tilespmem:s6], [sflag:$0x2] =	stream.linear.gather [hbm4b:s15+s2], $0x6800, $0x38;
	[tilespmem:$0x1A000] =	vst v63  }
0x83: {  	_ =	swait.ge [sflag:s16], $0x6800  }
0x84: {  	[sflag:s16] =	ssyncset.done $0x0  }
0x85: {  	[sflag:s16] =	ssyncadd.s32 $0xFFFF9800  }
0x86: {  	[tilespmem:s8], [sflag:$0x3] =	stream.indirect.gather [hbm4b:s7+s6], $0x1, s2, s6, $0xb8;
	[tilespmem:$0x1A000] =	vst v63  }
0x87: {  	_ =	swait.ge [sflag:s9], $0x6800  }
0x88: {  	[sflag:s9] =	ssyncset.done $0x0  }
0x89: {  	[sflag:s9] =	ssyncadd.s32 $0xFFFF9800  }
0x8a: {  	[hbm4b:s17+s2] =	stream.linear.scatter [tilespmem:s8], [sflag:$0x4], $0x6800, $0x38;
	[tilespmem:$0x1A000] =	vst v63  }
0x8b: {  	_ =	swait.ge [sflag:s11], $0x6800  }
0x8c: {  	[sflag:s11] =	ssyncset.done $0x0  }
0x8d: {  	[sflag:s11] =	ssyncadd.s32 $0xFFFF9800  }
0x8e: {  	[tilespmem:s2], [sflag:$0x1] =	stream.linear.gather [hbm4b:s19+s2], $0x6800, $0x38;
	[tilespmem:$0x1A000] =	vst v63  }
0x8f: {  	_ =	swait.ge [sflag:s18], $0x6800  }
0x90: {  	[sflag:s18] =	ssyncset.done $0x0  }
0x91: {  	[sflag:s18] =	ssyncadd.s32 $0xFFFF9800  }
0x92: {  	[tilespmem:s13], [sflag:$0x3] =	stream.indirect.gather [hbm4b:s7+s6], $0x1, s6, s6, $0xb8;
	[tilespmem:$0x1A000] =	vst v63  }
0x93: {  	_ =	swait.ge [sflag:s9], $0x6800  }
0x94: {  	[sflag:s9] =	ssyncset.done $0x0  }
0x95: {  	[sflag:s9] =	ssyncadd.s32 $0xFFFF9800  }
0x96: {  	[hbm4b:s20+s2] =	stream.linear.scatter [tilespmem:s13], [sflag:$0x5], $0x6800, $0x38;
	[tilespmem:$0x1A000] =	vst v63  }
0x97: {  	_ =	swait.ge [sflag:s4], $0x6800  }
0x98: {  	[sflag:s4] =	ssyncset.done $0x0  }
0x99: {  	[sflag:s4] =	ssyncadd.s32 $0xFFFF9800  }
0x9a: {  	[tilespmem:s6], [sflag:$0x2] =	stream.linear.gather [hbm4b:s21+s2], $0x6800, $0x38;
	[tilespmem:$0x1A000] =	vst v63  }
0x9b: {  	_ =	swait.ge [sflag:s16], $0x6800  }
0x9c: {  	[sflag:s16] =	ssyncset.done $0x0  }
0x9d: {  	[sflag:s16] =	ssyncadd.s32 $0xFFFF9800  }
0x9e: {  	[tilespmem:s8], [sflag:$0x3] =	stream.indirect.gather [hbm4b:s7+s6], $0x1, s2, s6, $0xb8;
	[tilespmem:$0x1A000] =	vst v63  }
0x9f: {  	_ =	swait.ge [sflag:s9], $0x6800  }
0xa0: {  	[sflag:s9] =	ssyncset.done $0x0  }
0xa1: {  	[sflag:s9] =	ssyncadd.s32 $0xFFFF9800  }
0xa2: {  	[hbm4b:s22+s2] =	stream.linear.scatter [tilespmem:s8], [sflag:$0x4], $0x6800, $0x38;
	[tilespmem:$0x1A000] =	vst v63  }
0xa3: {  	_ =	swait.ge [sflag:s11], $0x6800  }
0xa4: {  	[sflag:s11] =	ssyncset.done $0x0  }
0xa5: {  	[sflag:s11] =	ssyncadd.s32 $0xFFFF9800  }
0xa6: {  	[tilespmem:s2], [sflag:$0x1] =	stream.linear.gather [hbm4b:s23+s2], $0x6800, $0x38;
	[tilespmem:$0x1A000] =	vst v63  }
0xa7: {  	_ =	swait.ge [sflag:s18], $0x6800  }
0xa8: {  	[sflag:s18] =	ssyncset.done $0x0  }
0xa9: {  	[sflag:s18] =	ssyncadd.s32 $0xFFFF9800  }
0xaa: {  	[tilespmem:s13], [sflag:$0x3] =	stream.indirect.gather [hbm4b:s7+s6], $0x1, s6, s6, $0xb8;
	[tilespmem:$0x1A000] =	vst v63  }
0xab: {  	_ =	swait.ge [sflag:s9], $0x6800  }
0xac: {  	[sflag:s9] =	ssyncset.done $0x0  }
0xad: {  	[sflag:s9] =	ssyncadd.s32 $0xFFFF9800  }
0xae: {  	[hbm4b:s24+s2] =	stream.linear.scatter [tilespmem:s13], [sflag:$0x5], $0x6800, $0x38;
	[tilespmem:$0x1A000] =	vst v63  }
0xaf: {  	_ =	swait.ge [sflag:s4], $0x6800  }
0xb0: {  	[sflag:s4] =	ssyncset.done $0x0  }
0xb1: {  	[sflag:s4] =	ssyncadd.s32 $0xFFFF9800  }
0xb2: {  	[tilespmem:s6], [sflag:$0x2] =	stream.linear.gather [hbm4b:s25+s2], $0x6800, $0x38;
	[tilespmem:$0x1A000] =	vst v63  }
0xb3: {  	_ =	swait.ge [sflag:s16], $0x6800  }
0xb4: {  	[sflag:s16] =	ssyncset.done $0x0  }
0xb5: {  	[sflag:s16] =	ssyncadd.s32 $0xFFFF9800  }
0xb6: {  	[tilespmem:s8], [sflag:$0x3] =	stream.indirect.gather [hbm4b:s7+s6], $0x1, s2, s6, $0xb8;
	[tilespmem:$0x1A000] =	vst v63  }
0xb7: {  	_ =	swait.ge [sflag:s9], $0x6800  }
0xb8: {  	[sflag:s9] =	ssyncset.done $0x0  }
0xb9: {  	[sflag:s9] =	ssyncadd.s32 $0xFFFF9800  }
0xba: {  	[hbm4b:s26+s2] =	stream.linear.scatter [tilespmem:s8], [sflag:$0x4], $0x6800, $0x38;
	[tilespmem:$0x1A000] =	vst v63  }
0xbb: {  	_ =	swait.ge [sflag:s11], $0x6800  }
0xbc: {  	[sflag:s11] =	ssyncset.done $0x0  }
0xbd: {  	[sflag:s11] =	ssyncadd.s32 $0xFFFF9800  }
0xbe: {  	_ =	swait.ge [sflag:s18], $0x6800  }
0xbf: {  	[sflag:s18] =	ssyncset.done $0x0  }
0xc0: {  	[sflag:s18] =	ssyncadd.s32 $0xFFFF9800  }
0xc1: {  	[tilespmem:s13], [sflag:$0x3] =	stream.indirect.gather [hbm4b:s7+s6], $0x1, s6, s6, $0xb8;
	[tilespmem:$0x1A000] =	vst v63  }
0xc2: {  	_ =	swait.ge [sflag:s9], $0x6800  }
0xc3: {  	[sflag:s9] =	ssyncset.done $0x0  }
0xc4: {  	[sflag:s9] =	ssyncadd.s32 $0xFFFF9800  }
0xc5: {  	[hbm4b:s28+s2] =	stream.linear.scatter [tilespmem:s13], [sflag:$0x5], $0x6800, $0x38;
	[tilespmem:$0x1A000] =	vst v63  }
.Ltmp1:
0xc6: {  	_ =	swait.ge [sflag:s16], $0x6800;
	(pc) =	sbr.rel @p0 .LBB2_1-.Ltmp1, $4  }
0xc7: {  	[sflag:s16] =	ssyncset.done $0x0  }
0xc8: {  	[sflag:s16] =	ssyncadd.s32 $0xFFFF9800  }
0xc9: {  	_ =	swait.ge [sflag:s18], $0x6800  }
0xca: {  	[sflag:s18] =	ssyncset.done $0x0  }
.LBB2_2:
0xcb: {  	[sflag:s18] =	ssyncadd.s32 $0xFFFF9800  }
0xcc: {  	_ =	sfence.sel $0x180000  }
0xcd: {  	[bflag:$0x0] =	sbarrier.arrive $0xFFFF  }
0xce: {  	p0 =	sne.s32 s0, $0x0;
	_ =	strace $0x90000047  }
0xcf: {  	s0 =	sadd.s32 @!p0 $0x100000, s1;
	[bflag:$0x2] =	sbarrier.arrive $0xFFFF  }
0xd0: {  	[sflag:s0] =	ssyncadd.tile.s32 @!p0 $0x1;
	_ =	shalt  }
.Lfunc_end2:
_tile_overlayer_lowered:
.L_overlay_start_2:
0xd1: {  	(tag) =	ssettag $0x2  }
0xd2: {  	s0 =	rddreg [dreg:$0x0];
	s2 =	stileid.u32  }
0xd3: {  	s1 =	rddreg [dreg:$0x1];
	p0 =	sne.s32 s2, $0x0  }
0xd4: {  	s3 =	rddreg [dreg:$0x2];
	[bflag:$0x3] =	sbarrier.arrive $0xFFFF;
	s2 =	simm.s32 @!p0 $0x1C06  }
0xd5: {  	[timem:s3], [sflag:s2] =	dma.local @!p0 [hbm:s0], s1  }
0xd6: {  	s0 =	simm.s32 @!p0 $0x6  }
0xd7: {  	_ =	swait.ge @!p0 [sflag:s0], s1  }
0xd8: {  	s1 =	ssub.s32 @!p0 $0x0, s1;
	[sflag:s0] =	ssyncset.done @!p0 $0x0  }
0xd9: {  	[sflag:s0] =	ssyncadd.s32 @!p0 s1  }
0xda: {  	[bflag:$0x3] =	sbarrier.arrive $0xFFFF  }
0xdb: {  	_ =	shalt  }

</sc_bundles>
